<compile_context>
chip_gen: v7x
topology: tpu7x:2x2x1
jax: 0.10.2.dev20260603
libtpu: 0.0.44.dev20260713+nightly
codegen_flags: <defaults>
</compile_context>

<pallas_src>
import functools

import jax
import jax.numpy as jnp
from jax import lax
from jax.experimental import pallas as pl
from jax.experimental.pallas import tpu as pltpu
from jax.experimental.pallas import tpu_sc as plsc

DIM = 1024
MAX_T = 1000
BATCH = 16384

NC = 2
NS = 16
NW = NC * NS
BPW = BATCH // NW
CHUNK = 32
NCHUNK = BPW // CHUNK
NBUF = 3


def _gather_body(table_hbm, idx_hbm, out_hbm, idx_v, *bufs_and_sems):
    bufs = bufs_and_sems[:NBUF]
    gsems = bufs_and_sems[NBUF:2 * NBUF]
    osems = bufs_and_sems[2 * NBUF:3 * NBUF]

    cid = lax.axis_index("c")
    sid = lax.axis_index("s")
    wid = sid * NC + cid
    base = wid * BPW

    pltpu.sync_copy(idx_hbm.at[pl.ds(base, BPW)], idx_v)

    g_handles = [None] * NCHUNK
    o_handles = [None] * NBUF

    for j in range(NCHUNK + 1):
        b = j % NBUF
        if j < NCHUNK:
            if j >= NBUF:
                o_handles[b].wait()
            g_handles[j] = pltpu.async_copy(
                table_hbm.at[idx_v.at[pl.ds(j * CHUNK, CHUNK)]],
                bufs[b], gsems[b])
        if j >= 1:
            pb = (j - 1) % NBUF
            g_handles[j - 1].wait()
            o_handles[pb] = pltpu.async_copy(
                bufs[pb], out_hbm.at[pl.ds(base + (j - 1) * CHUNK, CHUNK)],
                osems[pb])
    for h in o_handles:
        h.wait()


@jax.jit
def _pe_lookup(table, idx3):
    mesh = plsc.VectorSubcoreMesh(core_axis_name="c", subcore_axis_name="s")
    k = functools.partial(
        pl.kernel,
        mesh=mesh,
        out_type=jax.ShapeDtypeStruct((BATCH, 1, DIM), jnp.float32),
        scratch_types=(
            [pltpu.VMEM((BPW,), jnp.int32)]
            + [pltpu.VMEM((CHUNK, 1, DIM), jnp.float32) for _ in range(NBUF)]
            + [pltpu.SemaphoreType.DMA for _ in range(2 * NBUF)]
        ),
    )(_gather_body)
    return k(table, idx3)


def kernel(timestep, pe_matrix):
    return _pe_lookup(pe_matrix, timestep.astype(jnp.int32))

# --- scband reference (transcript-rebuilt; emitter-appended) ---
"""Pipeline reference for scband-transformer-positional-embedding-28278064677044 (READ-ONLY COPY).

The authoritative reference and input builder live on the scoring server;
editing this copy changes nothing except your own understanding.
"""

import jax, jax.numpy as jnp
import numpy as np

DIM = 1024
MAX_T = 1000
BATCH = 16384


def make_pe_matrix():
    even_indices = jnp.arange(0, DIM, 2, dtype=jnp.float32)
    log_term = jnp.log(jnp.float32(10000.0)) / DIM
    div_term = jnp.exp(even_indices * -log_term)
    timesteps = jnp.arange(MAX_T, dtype=jnp.float32)[:, None]
    pe = jnp.zeros((MAX_T, 1, DIM), dtype=jnp.float32)
    pe = pe.at[:, 0, 0::2].set(jnp.sin(timesteps * div_term))
    pe = pe.at[:, 0, 1::2].set(jnp.cos(timesteps * div_term))
    return pe


def setup_inputs(seed: int = 0) -> dict:
    key = jax.random.key(seed)
    timestep = jax.random.randint(key, (BATCH,), 0, MAX_T, dtype=jnp.int64 if jax.config.jax_enable_x64 else jnp.int32)
    pe_matrix = make_pe_matrix()
    return {"timestep": timestep, "pe_matrix": pe_matrix}


def reference(timestep, pe_matrix):
    # Faithful translation of: return self.pe_matrix[timestep]
    # gather along axis 0 -> [B, 1, DIM]
    return jnp.take(pe_matrix, timestep, axis=0)

if __name__ == "__main__":
    import jax
    _d = setup_inputs()
    print(jax.jit(kernel)(*tuple(_d.values())))

</pallas_src>

<mosaic_0001>
#map = affine_map<(d0, d1) -> (0, 0, 0)>
#map1 = affine_map<(d0, d1) -> (0)>
module attributes {stable_mosaic.version = 14 : i64} {
  func.func @_gather_body(%arg0: i32, %arg1: i32, %arg2: memref<1000x1x1024xf32, #tpu.memory_space<hbm>>, %arg3: memref<16384xi32, #tpu.memory_space<hbm>>, %arg4: memref<16384x1x1024xf32, #tpu.memory_space<hbm>>, %arg5: memref<512xi32, #tpu.memory_space<vmem>>, %arg6: memref<32x1x1024xf32, #tpu.memory_space<vmem>>, %arg7: memref<32x1x1024xf32, #tpu.memory_space<vmem>>, %arg8: memref<32x1x1024xf32, #tpu.memory_space<vmem>>, %arg9: memref<!tpu.dma_semaphore, #tpu.memory_space<semaphore_mem>>, %arg10: memref<!tpu.dma_semaphore, #tpu.memory_space<semaphore_mem>>, %arg11: memref<!tpu.dma_semaphore, #tpu.memory_space<semaphore_mem>>, %arg12: memref<!tpu.dma_semaphore, #tpu.memory_space<semaphore_mem>>, %arg13: memref<!tpu.dma_semaphore, #tpu.memory_space<semaphore_mem>>, %arg14: memref<!tpu.dma_semaphore, #tpu.memory_space<semaphore_mem>>) attributes {dimension_semantics = [#tpu.dimension_semantics<core_parallel>, #tpu.dimension_semantics<subcore_parallel>], iteration_bounds = array<i64: 2, 16>, scalar_prefetch = 0 : i64, scratch_operands = 10 : i64, tpu.core_type = #tpu.core_type<sc_vector_subcore>, window_params = [{transform_indices = #map}, {transform_indices = #map1}, {transform_indices = #map}]} {
    %mul3A = arith.constant 2 : i32
    %mul3A_0 = arith.muli %arg1, %mul3A : i32
    %add3A = arith.addi %mul3A_0, %arg0 : i32
    %mul3A_1 = arith.constant 512 : i32
    %mul3A_2 = arith.muli %add3A, %mul3A_1 : i32
    "tpu.region"() ({
      %run_scoped3A = tpu.sem_alloc : memref<!tpu.dma_semaphore, #tpu.memory_space<semaphore_mem>>
      %dma_start3A_417 = tpu.memref_slice %arg3[%mul3A_2] : memref<16384xi32, #tpu.memory_space<hbm>> -> memref<512xi32, #tpu.memory_space<hbm>>
      %dma_start3A_418 = tpu.memref_slice %arg3[%mul3A_2] : memref<16384xi32, #tpu.memory_space<hbm>> -> memref<512xi32, #tpu.memory_space<hbm>>
      tpu.enqueue_dma source(%dma_start3A_418 : memref<512xi32, #tpu.memory_space<hbm>>) target(%arg5 : memref<512xi32, #tpu.memory_space<vmem>>) target_semaphore(%run_scoped3A : memref<!tpu.dma_semaphore, #tpu.memory_space<semaphore_mem>>)
      %dma_wait3A_419 = tpu.memref_slice %arg3[%mul3A_2] : memref<16384xi32, #tpu.memory_space<hbm>> -> memref<512xi32, #tpu.memory_space<hbm>>
      %dma_wait3A_420 = tpu.memref_slice %arg3[%mul3A_2] : memref<16384xi32, #tpu.memory_space<hbm>> -> memref<512xi32, #tpu.memory_space<hbm>>
      tpu.wait_dma2 semaphore(%run_scoped3A : memref<!tpu.dma_semaphore, #tpu.memory_space<semaphore_mem>>) src(%dma_wait3A_420 : memref<512xi32, #tpu.memory_space<hbm>>) dst(%arg5 : memref<512xi32, #tpu.memory_space<vmem>>)
      tpu.yield
    }) : () -> ()
    %dma_start3A = arith.constant 0 : i32
    %dma_start3A_3 = tpu.memref_slice %arg5[%dma_start3A] : memref<512xi32, #tpu.memory_space<vmem>> -> memref<32xi32, #tpu.memory_space<vmem>>
    %dma_start3A_4 = arith.constant 0 : i32
    %dma_start3A_5 = arith.constant 0 : i32
    %dma_start3A_6 = arith.constant 0 : i32
    %dma_start3A_7 = tpu.memref_slice %arg2[%dma_start3A_4, %dma_start3A_5, %dma_start3A_6] : memref<1000x1x1024xf32, #tpu.memory_space<hbm>> -> memref<1000x1x1024xf32, #tpu.memory_space<hbm>>
    tpu.enqueue_indirect_dma source(%dma_start3A_7 : memref<1000x1x1024xf32, #tpu.memory_space<hbm>>) target(%arg6 : memref<32x1x1024xf32, #tpu.memory_space<vmem>>) offsets(%dma_start3A_3 : memref<32xi32, #tpu.memory_space<vmem>>) semaphore(%arg9 : memref<!tpu.dma_semaphore, #tpu.memory_space<semaphore_mem>>)
    %dma_start3A_8 = arith.constant 32 : i32
    %dma_start3A_9 = tpu.memref_slice %arg5[%dma_start3A_8] : memref<512xi32, #tpu.memory_space<vmem>> -> memref<32xi32, #tpu.memory_space<vmem>>
    %dma_start3A_10 = arith.constant 0 : i32
    %dma_start3A_11 = arith.constant 0 : i32
    %dma_start3A_12 = arith.constant 0 : i32
    %dma_start3A_13 = tpu.memref_slice %arg2[%dma_start3A_10, %dma_start3A_11, %dma_start3A_12] : memref<1000x1x1024xf32, #tpu.memory_space<hbm>> -> memref<1000x1x1024xf32, #tpu.memory_space<hbm>>
    tpu.enqueue_indirect_dma source(%dma_start3A_13 : memref<1000x1x1024xf32, #tpu.memory_space<hbm>>) target(%arg7 : memref<32x1x1024xf32, #tpu.memory_space<vmem>>) offsets(%dma_start3A_9 : memref<32xi32, #tpu.memory_space<vmem>>) semaphore(%arg10 : memref<!tpu.dma_semaphore, #tpu.memory_space<semaphore_mem>>)
    %dma_wait3A = arith.constant 0 : i32
    %dma_wait3A_14 = tpu.memref_slice %arg5[%dma_wait3A] : memref<512xi32, #tpu.memory_space<vmem>> -> memref<32xi32, #tpu.memory_space<vmem>>
    %dma_wait3A_15 = arith.constant 0 : i32
    %dma_wait3A_16 = arith.constant 0 : i32
    %dma_wait3A_17 = arith.constant 0 : i32
    %dma_wait3A_18 = tpu.memref_slice %arg2[%dma_wait3A_15, %dma_wait3A_16, %dma_wait3A_17] : memref<1000x1x1024xf32, #tpu.memory_space<hbm>> -> memref<1000x1x1024xf32, #tpu.memory_space<hbm>>
    tpu.wait_indirect_dma semaphore(%arg9 : memref<!tpu.dma_semaphore, #tpu.memory_space<semaphore_mem>>) src(%dma_wait3A_18 : memref<1000x1x1024xf32, #tpu.memory_space<hbm>>) dst(%arg6 : memref<32x1x1024xf32, #tpu.memory_space<vmem>>)
    %add3A_19 = arith.constant 0 : i32
    %add3A_20 = arith.addi %mul3A_2, %add3A_19 : i32
    %dma_start3A_21 = arith.constant 0 : i32
    %dma_start3A_22 = arith.constant 0 : i32
    %dma_start3A_23 = tpu.memref_slice %arg4[%add3A_20, %dma_start3A_21, %dma_start3A_22] : memref<16384x1x1024xf32, #tpu.memory_space<hbm>> -> memref<32x1x1024xf32, #tpu.memory_space<hbm>>
    %dma_start3A_24 = arith.constant 0 : i32
    %dma_start3A_25 = arith.constant 0 : i32
    %dma_start3A_26 = tpu.memref_slice %arg4[%add3A_20, %dma_start3A_24, %dma_start3A_25] : memref<16384x1x1024xf32, #tpu.memory_space<hbm>> -> memref<32x1x1024xf32, #tpu.memory_space<hbm>>
    tpu.enqueue_dma source(%arg6 : memref<32x1x1024xf32, #tpu.memory_space<vmem>>) target(%dma_start3A_26 : memref<32x1x1024xf32, #tpu.memory_space<hbm>>) target_semaphore(%arg12 : memref<!tpu.dma_semaphore, #tpu.memory_space<semaphore_mem>>)
    %dma_start3A_27 = arith.constant 64 : i32
    %dma_start3A_28 = tpu.memref_slice %arg5[%dma_start3A_27] : memref<512xi32, #tpu.memory_space<vmem>> -> memref<32xi32, #tpu.memory_space<vmem>>
    %dma_start3A_29 = arith.constant 0 : i32
    %dma_start3A_30 = arith.constant 0 : i32
    %dma_start3A_31 = arith.constant 0 : i32
    %dma_start3A_32 = tpu.memref_slice %arg2[%dma_start3A_29, %dma_start3A_30, %dma_start3A_31] : memref<1000x1x1024xf32, #tpu.memory_space<hbm>> -> memref<1000x1x1024xf32, #tpu.memory_space<hbm>>
    tpu.enqueue_indirect_dma source(%dma_start3A_32 : memref<1000x1x1024xf32, #tpu.memory_space<hbm>>) target(%arg8 : memref<32x1x1024xf32, #tpu.memory_space<vmem>>) offsets(%dma_start3A_28 : memref<32xi32, #tpu.memory_space<vmem>>) semaphore(%arg11 : memref<!tpu.dma_semaphore, #tpu.memory_space<semaphore_mem>>)
    %dma_wait3A_33 = arith.constant 32 : i32
    %dma_wait3A_34 = tpu.memref_slice %arg5[%dma_wait3A_33] : memref<512xi32, #tpu.memory_space<vmem>> -> memref<32xi32, #tpu.memory_space<vmem>>
    %dma_wait3A_35 = arith.constant 0 : i32
    %dma_wait3A_36 = arith.constant 0 : i32
    %dma_wait3A_37 = arith.constant 0 : i32
    %dma_wait3A_38 = tpu.memref_slice %arg2[%dma_wait3A_35, %dma_wait3A_36, %dma_wait3A_37] : memref<1000x1x1024xf32, #tpu.memory_space<hbm>> -> memref<1000x1x1024xf32, #tpu.memory_space<hbm>>
    tpu.wait_indirect_dma semaphore(%arg10 : memref<!tpu.dma_semaphore, #tpu.memory_space<semaphore_mem>>) src(%dma_wait3A_38 : memref<1000x1x1024xf32, #tpu.memory_space<hbm>>) dst(%arg7 : memref<32x1x1024xf32, #tpu.memory_space<vmem>>)
    %add3A_39 = arith.constant 32 : i32
    %add3A_40 = arith.addi %mul3A_2, %add3A_39 : i32
    %dma_start3A_41 = arith.constant 0 : i32
    %dma_start3A_42 = arith.constant 0 : i32
    %dma_start3A_43 = tpu.memref_slice %arg4[%add3A_40, %dma_start3A_41, %dma_start3A_42] : memref<16384x1x1024xf32, #tpu.memory_space<hbm>> -> memref<32x1x1024xf32, #tpu.memory_space<hbm>>
    %dma_start3A_44 = arith.constant 0 : i32
    %dma_start3A_45 = arith.constant 0 : i32
    %dma_start3A_46 = tpu.memref_slice %arg4[%add3A_40, %dma_start3A_44, %dma_start3A_45] : memref<16384x1x1024xf32, #tpu.memory_space<hbm>> -> memref<32x1x1024xf32, #tpu.memory_space<hbm>>
    tpu.enqueue_dma source(%arg7 : memref<32x1x1024xf32, #tpu.memory_space<vmem>>) target(%dma_start3A_46 : memref<32x1x1024xf32, #tpu.memory_space<hbm>>) target_semaphore(%arg13 : memref<!tpu.dma_semaphore, #tpu.memory_space<semaphore_mem>>)
    %dma_wait3A_47 = arith.constant 0 : i32
    %dma_wait3A_48 = arith.constant 0 : i32
    %dma_wait3A_49 = tpu.memref_slice %arg4[%add3A_20, %dma_wait3A_47, %dma_wait3A_48] : memref<16384x1x1024xf32, #tpu.memory_space<hbm>> -> memref<32x1x1024xf32, #tpu.memory_space<hbm>>
    %dma_wait3A_50 = arith.constant 0 : i32
    %dma_wait3A_51 = arith.constant 0 : i32
    %dma_wait3A_52 = tpu.memref_slice %arg4[%add3A_20, %dma_wait3A_50, %dma_wait3A_51] : memref<16384x1x1024xf32, #tpu.memory_space<hbm>> -> memref<32x1x1024xf32, #tpu.memory_space<hbm>>
    tpu.wait_dma2 semaphore(%arg12 : memref<!tpu.dma_semaphore, #tpu.memory_space<semaphore_mem>>) src(%arg6 : memref<32x1x1024xf32, #tpu.memory_space<vmem>>) dst(%dma_wait3A_52 : memref<32x1x1024xf32, #tpu.memory_space<hbm>>)
    %dma_start3A_53 = arith.constant 96 : i32
    %dma_start3A_54 = tpu.memref_slice %arg5[%dma_start3A_53] : memref<512xi32, #tpu.memory_space<vmem>> -> memref<32xi32, #tpu.memory_space<vmem>>
    %dma_start3A_55 = arith.constant 0 : i32
    %dma_start3A_56 = arith.constant 0 : i32
    %dma_start3A_57 = arith.constant 0 : i32
    %dma_start3A_58 = tpu.memref_slice %arg2[%dma_start3A_55, %dma_start3A_56, %dma_start3A_57] : memref<1000x1x1024xf32, #tpu.memory_space<hbm>> -> memref<1000x1x1024xf32, #tpu.memory_space<hbm>>
    tpu.enqueue_indirect_dma source(%dma_start3A_58 : memref<1000x1x1024xf32, #tpu.memory_space<hbm>>) target(%arg6 : memref<32x1x1024xf32, #tpu.memory_space<vmem>>) offsets(%dma_start3A_54 : memref<32xi32, #tpu.memory_space<vmem>>) semaphore(%arg9 : memref<!tpu.dma_semaphore, #tpu.memory_space<semaphore_mem>>)
    %dma_wait3A_59 = arith.constant 64 : i32
    %dma_wait3A_60 = tpu.memref_slice %arg5[%dma_wait3A_59] : memref<512xi32, #tpu.memory_space<vmem>> -> memref<32xi32, #tpu.memory_space<vmem>>
    %dma_wait3A_61 = arith.constant 0 : i32
    %dma_wait3A_62 = arith.constant 0 : i32
    %dma_wait3A_63 = arith.constant 0 : i32
    %dma_wait3A_64 = tpu.memref_slice %arg2[%dma_wait3A_61, %dma_wait3A_62, %dma_wait3A_63] : memref<1000x1x1024xf32, #tpu.memory_space<hbm>> -> memref<1000x1x1024xf32, #tpu.memory_space<hbm>>
    tpu.wait_indirect_dma semaphore(%arg11 : memref<!tpu.dma_semaphore, #tpu.memory_space<semaphore_mem>>) src(%dma_wait3A_64 : memref<1000x1x1024xf32, #tpu.memory_space<hbm>>) dst(%arg8 : memref<32x1x1024xf32, #tpu.memory_space<vmem>>)
    %add3A_65 = arith.constant 64 : i32
    %add3A_66 = arith.addi %mul3A_2, %add3A_65 : i32
    %dma_start3A_67 = arith.constant 0 : i32
    %dma_start3A_68 = arith.constant 0 : i32
    %dma_start3A_69 = tpu.memref_slice %arg4[%add3A_66, %dma_start3A_67, %dma_start3A_68] : memref<16384x1x1024xf32, #tpu.memory_space<hbm>> -> memref<32x1x1024xf32, #tpu.memory_space<hbm>>
    %dma_start3A_70 = arith.constant 0 : i32
    %dma_start3A_71 = arith.constant 0 : i32
    %dma_start3A_72 = tpu.memref_slice %arg4[%add3A_66, %dma_start3A_70, %dma_start3A_71] : memref<16384x1x1024xf32, #tpu.memory_space<hbm>> -> memref<32x1x1024xf32, #tpu.memory_space<hbm>>
    tpu.enqueue_dma source(%arg8 : memref<32x1x1024xf32, #tpu.memory_space<vmem>>) target(%dma_start3A_72 : memref<32x1x1024xf32, #tpu.memory_space<hbm>>) target_semaphore(%arg14 : memref<!tpu.dma_semaphore, #tpu.memory_space<semaphore_mem>>)
    %dma_wait3A_73 = arith.constant 0 : i32
    %dma_wait3A_74 = arith.constant 0 : i32
    %dma_wait3A_75 = tpu.memref_slice %arg4[%add3A_40, %dma_wait3A_73, %dma_wait3A_74] : memref<16384x1x1024xf32, #tpu.memory_space<hbm>> -> memref<32x1x1024xf32, #tpu.memory_space<hbm>>
    %dma_wait3A_76 = arith.constant 0 : i32
    %dma_wait3A_77 = arith.constant 0 : i32
    %dma_wait3A_78 = tpu.memref_slice %arg4[%add3A_40, %dma_wait3A_76, %dma_wait3A_77] : memref<16384x1x1024xf32, #tpu.memory_space<hbm>> -> memref<32x1x1024xf32, #tpu.memory_space<hbm>>
    tpu.wait_dma2 semaphore(%arg13 : memref<!tpu.dma_semaphore, #tpu.memory_space<semaphore_mem>>) src(%arg7 : memref<32x1x1024xf32, #tpu.memory_space<vmem>>) dst(%dma_wait3A_78 : memref<32x1x1024xf32, #tpu.memory_space<hbm>>)
    %dma_start3A_79 = arith.constant 128 : i32
    %dma_start3A_80 = tpu.memref_slice %arg5[%dma_start3A_79] : memref<512xi32, #tpu.memory_space<vmem>> -> memref<32xi32, #tpu.memory_space<vmem>>
    %dma_start3A_81 = arith.constant 0 : i32
    %dma_start3A_82 = arith.constant 0 : i32
    %dma_start3A_83 = arith.constant 0 : i32
    %dma_start3A_84 = tpu.memref_slice %arg2[%dma_start3A_81, %dma_start3A_82, %dma_start3A_83] : memref<1000x1x1024xf32, #tpu.memory_space<hbm>> -> memref<1000x1x1024xf32, #tpu.memory_space<hbm>>
    tpu.enqueue_indirect_dma source(%dma_start3A_84 : memref<1000x1x1024xf32, #tpu.memory_space<hbm>>) target(%arg7 : memref<32x1x1024xf32, #tpu.memory_space<vmem>>) offsets(%dma_start3A_80 : memref<32xi32, #tpu.memory_space<vmem>>) semaphore(%arg10 : memref<!tpu.dma_semaphore, #tpu.memory_space<semaphore_mem>>)
    %dma_wait3A_85 = arith.constant 96 : i32
    %dma_wait3A_86 = tpu.memref_slice %arg5[%dma_wait3A_85] : memref<512xi32, #tpu.memory_space<vmem>> -> memref<32xi32, #tpu.memory_space<vmem>>
    %dma_wait3A_87 = arith.constant 0 : i32
    %dma_wait3A_88 = arith.constant 0 : i32
    %dma_wait3A_89 = arith.constant 0 : i32
    %dma_wait3A_90 = tpu.memref_slice %arg2[%dma_wait3A_87, %dma_wait3A_88, %dma_wait3A_89] : memref<1000x1x1024xf32, #tpu.memory_space<hbm>> -> memref<1000x1x1024xf32, #tpu.memory_space<hbm>>
    tpu.wait_indirect_dma semaphore(%arg9 : memref<!tpu.dma_semaphore, #tpu.memory_space<semaphore_mem>>) src(%dma_wait3A_90 : memref<1000x1x1024xf32, #tpu.memory_space<hbm>>) dst(%arg6 : memref<32x1x1024xf32, #tpu.memory_space<vmem>>)
    %add3A_91 = arith.constant 96 : i32
    %add3A_92 = arith.addi %mul3A_2, %add3A_91 : i32
    %dma_start3A_93 = arith.constant 0 : i32
    %dma_start3A_94 = arith.constant 0 : i32
    %dma_start3A_95 = tpu.memref_slice %arg4[%add3A_92, %dma_start3A_93, %dma_start3A_94] : memref<16384x1x1024xf32, #tpu.memory_space<hbm>> -> memref<32x1x1024xf32, #tpu.memory_space<hbm>>
    %dma_start3A_96 = arith.constant 0 : i32
    %dma_start3A_97 = arith.constant 0 : i32
    %dma_start3A_98 = tpu.memref_slice %arg4[%add3A_92, %dma_start3A_96, %dma_start3A_97] : memref<16384x1x1024xf32, #tpu.memory_space<hbm>> -> memref<32x1x1024xf32, #tpu.memory_space<hbm>>
    tpu.enqueue_dma source(%arg6 : memref<32x1x1024xf32, #tpu.memory_space<vmem>>) target(%dma_start3A_98 : memref<32x1x1024xf32, #tpu.memory_space<hbm>>) target_semaphore(%arg12 : memref<!tpu.dma_semaphore, #tpu.memory_space<semaphore_mem>>)
    %dma_wait3A_99 = arith.constant 0 : i32
    %dma_wait3A_100 = arith.constant 0 : i32
    %dma_wait3A_101 = tpu.memref_slice %arg4[%add3A_66, %dma_wait3A_99, %dma_wait3A_100] : memref<16384x1x1024xf32, #tpu.memory_space<hbm>> -> memref<32x1x1024xf32, #tpu.memory_space<hbm>>
    %dma_wait3A_102 = arith.constant 0 : i32
    %dma_wait3A_103 = arith.constant 0 : i32
    %dma_wait3A_104 = tpu.memref_slice %arg4[%add3A_66, %dma_wait3A_102, %dma_wait3A_103] : memref<16384x1x1024xf32, #tpu.memory_space<hbm>> -> memref<32x1x1024xf32, #tpu.memory_space<hbm>>
    tpu.wait_dma2 semaphore(%arg14 : memref<!tpu.dma_semaphore, #tpu.memory_space<semaphore_mem>>) src(%arg8 : memref<32x1x1024xf32, #tpu.memory_space<vmem>>) dst(%dma_wait3A_104 : memref<32x1x1024xf32, #tpu.memory_space<hbm>>)
    %dma_start3A_105 = arith.constant 160 : i32
    %dma_start3A_106 = tpu.memref_slice %arg5[%dma_start3A_105] : memref<512xi32, #tpu.memory_space<vmem>> -> memref<32xi32, #tpu.memory_space<vmem>>
    %dma_start3A_107 = arith.constant 0 : i32
    %dma_start3A_108 = arith.constant 0 : i32
    %dma_start3A_109 = arith.constant 0 : i32
    %dma_start3A_110 = tpu.memref_slice %arg2[%dma_start3A_107, %dma_start3A_108, %dma_start3A_109] : memref<1000x1x1024xf32, #tpu.memory_space<hbm>> -> memref<1000x1x1024xf32, #tpu.memory_space<hbm>>
    tpu.enqueue_indirect_dma source(%dma_start3A_110 : memref<1000x1x1024xf32, #tpu.memory_space<hbm>>) target(%arg8 : memref<32x1x1024xf32, #tpu.memory_space<vmem>>) offsets(%dma_start3A_106 : memref<32xi32, #tpu.memory_space<vmem>>) semaphore(%arg11 : memref<!tpu.dma_semaphore, #tpu.memory_space<semaphore_mem>>)
    %dma_wait3A_111 = arith.constant 128 : i32
    %dma_wait3A_112 = tpu.memref_slice %arg5[%dma_wait3A_111] : memref<512xi32, #tpu.memory_space<vmem>> -> memref<32xi32, #tpu.memory_space<vmem>>
    %dma_wait3A_113 = arith.constant 0 : i32
    %dma_wait3A_114 = arith.constant 0 : i32
    %dma_wait3A_115 = arith.constant 0 : i32
    %dma_wait3A_116 = tpu.memref_slice %arg2[%dma_wait3A_113, %dma_wait3A_114, %dma_wait3A_115] : memref<1000x1x1024xf32, #tpu.memory_space<hbm>> -> memref<1000x1x1024xf32, #tpu.memory_space<hbm>>
    tpu.wait_indirect_dma semaphore(%arg10 : memref<!tpu.dma_semaphore, #tpu.memory_space<semaphore_mem>>) src(%dma_wait3A_116 : memref<1000x1x1024xf32, #tpu.memory_space<hbm>>) dst(%arg7 : memref<32x1x1024xf32, #tpu.memory_space<vmem>>)
    %add3A_117 = arith.constant 128 : i32
    %add3A_118 = arith.addi %mul3A_2, %add3A_117 : i32
    %dma_start3A_119 = arith.constant 0 : i32
    %dma_start3A_120 = arith.constant 0 : i32
    %dma_start3A_121 = tpu.memref_slice %arg4[%add3A_118, %dma_start3A_119, %dma_start3A_120] : memref<16384x1x1024xf32, #tpu.memory_space<hbm>> -> memref<32x1x1024xf32, #tpu.memory_space<hbm>>
    %dma_start3A_122 = arith.constant 0 : i32
    %dma_start3A_123 = arith.constant 0 : i32
    %dma_start3A_124 = tpu.memref_slice %arg4[%add3A_118, %dma_start3A_122, %dma_start3A_123] : memref<16384x1x1024xf32, #tpu.memory_space<hbm>> -> memref<32x1x1024xf32, #tpu.memory_space<hbm>>
    tpu.enqueue_dma source(%arg7 : memref<32x1x1024xf32, #tpu.memory_space<vmem>>) target(%dma_start3A_124 : memref<32x1x1024xf32, #tpu.memory_space<hbm>>) target_semaphore(%arg13 : memref<!tpu.dma_semaphore, #tpu.memory_space<semaphore_mem>>)
    %dma_wait3A_125 = arith.constant 0 : i32
    %dma_wait3A_126 = arith.constant 0 : i32
    %dma_wait3A_127 = tpu.memref_slice %arg4[%add3A_92, %dma_wait3A_125, %dma_wait3A_126] : memref<16384x1x1024xf32, #tpu.memory_space<hbm>> -> memref<32x1x1024xf32, #tpu.memory_space<hbm>>
    %dma_wait3A_128 = arith.constant 0 : i32
    %dma_wait3A_129 = arith.constant 0 : i32
    %dma_wait3A_130 = tpu.memref_slice %arg4[%add3A_92, %dma_wait3A_128, %dma_wait3A_129] : memref<16384x1x1024xf32, #tpu.memory_space<hbm>> -> memref<32x1x1024xf32, #tpu.memory_space<hbm>>
    tpu.wait_dma2 semaphore(%arg12 : memref<!tpu.dma_semaphore, #tpu.memory_space<semaphore_mem>>) src(%arg6 : memref<32x1x1024xf32, #tpu.memory_space<vmem>>) dst(%dma_wait3A_130 : memref<32x1x1024xf32, #tpu.memory_space<hbm>>)
    %dma_start3A_131 = arith.constant 192 : i32
    %dma_start3A_132 = tpu.memref_slice %arg5[%dma_start3A_131] : memref<512xi32, #tpu.memory_space<vmem>> -> memref<32xi32, #tpu.memory_space<vmem>>
    %dma_start3A_133 = arith.constant 0 : i32
    %dma_start3A_134 = arith.constant 0 : i32
    %dma_start3A_135 = arith.constant 0 : i32
    %dma_start3A_136 = tpu.memref_slice %arg2[%dma_start3A_133, %dma_start3A_134, %dma_start3A_135] : memref<1000x1x1024xf32, #tpu.memory_space<hbm>> -> memref<1000x1x1024xf32, #tpu.memory_space<hbm>>
    tpu.enqueue_indirect_dma source(%dma_start3A_136 : memref<1000x1x1024xf32, #tpu.memory_space<hbm>>) target(%arg6 : memref<32x1x1024xf32, #tpu.memory_space<vmem>>) offsets(%dma_start3A_132 : memref<32xi32, #tpu.memory_space<vmem>>) semaphore(%arg9 : memref<!tpu.dma_semaphore, #tpu.memory_space<semaphore_mem>>)
    %dma_wait3A_137 = arith.constant 160 : i32
    %dma_wait3A_138 = tpu.memref_slice %arg5[%dma_wait3A_137] : memref<512xi32, #tpu.memory_space<vmem>> -> memref<32xi32, #tpu.memory_space<vmem>>
    %dma_wait3A_139 = arith.constant 0 : i32
    %dma_wait3A_140 = arith.constant 0 : i32
    %dma_wait3A_141 = arith.constant 0 : i32
    %dma_wait3A_142 = tpu.memref_slice %arg2[%dma_wait3A_139, %dma_wait3A_140, %dma_wait3A_141] : memref<1000x1x1024xf32, #tpu.memory_space<hbm>> -> memref<1000x1x1024xf32, #tpu.memory_space<hbm>>
    tpu.wait_indirect_dma semaphore(%arg11 : memref<!tpu.dma_semaphore, #tpu.memory_space<semaphore_mem>>) src(%dma_wait3A_142 : memref<1000x1x1024xf32, #tpu.memory_space<hbm>>) dst(%arg8 : memref<32x1x1024xf32, #tpu.memory_space<vmem>>)
    %add3A_143 = arith.constant 160 : i32
    %add3A_144 = arith.addi %mul3A_2, %add3A_143 : i32
    %dma_start3A_145 = arith.constant 0 : i32
    %dma_start3A_146 = arith.constant 0 : i32
    %dma_start3A_147 = tpu.memref_slice %arg4[%add3A_144, %dma_start3A_145, %dma_start3A_146] : memref<16384x1x1024xf32, #tpu.memory_space<hbm>> -> memref<32x1x1024xf32, #tpu.memory_space<hbm>>
    %dma_start3A_148 = arith.constant 0 : i32
    %dma_start3A_149 = arith.constant 0 : i32
    %dma_start3A_150 = tpu.memref_slice %arg4[%add3A_144, %dma_start3A_148, %dma_start3A_149] : memref<16384x1x1024xf32, #tpu.memory_space<hbm>> -> memref<32x1x1024xf32, #tpu.memory_space<hbm>>
    tpu.enqueue_dma source(%arg8 : memref<32x1x1024xf32, #tpu.memory_space<vmem>>) target(%dma_start3A_150 : memref<32x1x1024xf32, #tpu.memory_space<hbm>>) target_semaphore(%arg14 : memref<!tpu.dma_semaphore, #tpu.memory_space<semaphore_mem>>)
    %dma_wait3A_151 = arith.constant 0 : i32
    %dma_wait3A_152 = arith.constant 0 : i32
    %dma_wait3A_153 = tpu.memref_slice %arg4[%add3A_118, %dma_wait3A_151, %dma_wait3A_152] : memref<16384x1x1024xf32, #tpu.memory_space<hbm>> -> memref<32x1x1024xf32, #tpu.memory_space<hbm>>
    %dma_wait3A_154 = arith.constant 0 : i32
    %dma_wait3A_155 = arith.constant 0 : i32
    %dma_wait3A_156 = tpu.memref_slice %arg4[%add3A_118, %dma_wait3A_154, %dma_wait3A_155] : memref<16384x1x1024xf32, #tpu.memory_space<hbm>> -> memref<32x1x1024xf32, #tpu.memory_space<hbm>>
    tpu.wait_dma2 semaphore(%arg13 : memref<!tpu.dma_semaphore, #tpu.memory_space<semaphore_mem>>) src(%arg7 : memref<32x1x1024xf32, #tpu.memory_space<vmem>>) dst(%dma_wait3A_156 : memref<32x1x1024xf32, #tpu.memory_space<hbm>>)
    %dma_start3A_157 = arith.constant 224 : i32
    %dma_start3A_158 = tpu.memref_slice %arg5[%dma_start3A_157] : memref<512xi32, #tpu.memory_space<vmem>> -> memref<32xi32, #tpu.memory_space<vmem>>
    %dma_start3A_159 = arith.constant 0 : i32
    %dma_start3A_160 = arith.constant 0 : i32
    %dma_start3A_161 = arith.constant 0 : i32
    %dma_start3A_162 = tpu.memref_slice %arg2[%dma_start3A_159, %dma_start3A_160, %dma_start3A_161] : memref<1000x1x1024xf32, #tpu.memory_space<hbm>> -> memref<1000x1x1024xf32, #tpu.memory_space<hbm>>
    tpu.enqueue_indirect_dma source(%dma_start3A_162 : memref<1000x1x1024xf32, #tpu.memory_space<hbm>>) target(%arg7 : memref<32x1x1024xf32, #tpu.memory_space<vmem>>) offsets(%dma_start3A_158 : memref<32xi32, #tpu.memory_space<vmem>>) semaphore(%arg10 : memref<!tpu.dma_semaphore, #tpu.memory_space<semaphore_mem>>)
    %dma_wait3A_163 = arith.constant 192 : i32
    %dma_wait3A_164 = tpu.memref_slice %arg5[%dma_wait3A_163] : memref<512xi32, #tpu.memory_space<vmem>> -> memref<32xi32, #tpu.memory_space<vmem>>
    %dma_wait3A_165 = arith.constant 0 : i32
    %dma_wait3A_166 = arith.constant 0 : i32
    %dma_wait3A_167 = arith.constant 0 : i32
    %dma_wait3A_168 = tpu.memref_slice %arg2[%dma_wait3A_165, %dma_wait3A_166, %dma_wait3A_167] : memref<1000x1x1024xf32, #tpu.memory_space<hbm>> -> memref<1000x1x1024xf32, #tpu.memory_space<hbm>>
    tpu.wait_indirect_dma semaphore(%arg9 : memref<!tpu.dma_semaphore, #tpu.memory_space<semaphore_mem>>) src(%dma_wait3A_168 : memref<1000x1x1024xf32, #tpu.memory_space<hbm>>) dst(%arg6 : memref<32x1x1024xf32, #tpu.memory_space<vmem>>)
    %add3A_169 = arith.constant 192 : i32
    %add3A_170 = arith.addi %mul3A_2, %add3A_169 : i32
    %dma_start3A_171 = arith.constant 0 : i32
    %dma_start3A_172 = arith.constant 0 : i32
    %dma_start3A_173 = tpu.memref_slice %arg4[%add3A_170, %dma_start3A_171, %dma_start3A_172] : memref<16384x1x1024xf32, #tpu.memory_space<hbm>> -> memref<32x1x1024xf32, #tpu.memory_space<hbm>>
    %dma_start3A_174 = arith.constant 0 : i32
    %dma_start3A_175 = arith.constant 0 : i32
    %dma_start3A_176 = tpu.memref_slice %arg4[%add3A_170, %dma_start3A_174, %dma_start3A_175] : memref<16384x1x1024xf32, #tpu.memory_space<hbm>> -> memref<32x1x1024xf32, #tpu.memory_space<hbm>>
    tpu.enqueue_dma source(%arg6 : memref<32x1x1024xf32, #tpu.memory_space<vmem>>) target(%dma_start3A_176 : memref<32x1x1024xf32, #tpu.memory_space<hbm>>) target_semaphore(%arg12 : memref<!tpu.dma_semaphore, #tpu.memory_space<semaphore_mem>>)
    %dma_wait3A_177 = arith.constant 0 : i32
    %dma_wait3A_178 = arith.constant 0 : i32
    %dma_wait3A_179 = tpu.memref_slice %arg4[%add3A_144, %dma_wait3A_177, %dma_wait3A_178] : memref<16384x1x1024xf32, #tpu.memory_space<hbm>> -> memref<32x1x1024xf32, #tpu.memory_space<hbm>>
    %dma_wait3A_180 = arith.constant 0 : i32
    %dma_wait3A_181 = arith.constant 0 : i32
    %dma_wait3A_182 = tpu.memref_slice %arg4[%add3A_144, %dma_wait3A_180, %dma_wait3A_181] : memref<16384x1x1024xf32, #tpu.memory_space<hbm>> -> memref<32x1x1024xf32, #tpu.memory_space<hbm>>
    tpu.wait_dma2 semaphore(%arg14 : memref<!tpu.dma_semaphore, #tpu.memory_space<semaphore_mem>>) src(%arg8 : memref<32x1x1024xf32, #tpu.memory_space<vmem>>) dst(%dma_wait3A_182 : memref<32x1x1024xf32, #tpu.memory_space<hbm>>)
    %dma_start3A_183 = arith.constant 256 : i32
    %dma_start3A_184 = tpu.memref_slice %arg5[%dma_start3A_183] : memref<512xi32, #tpu.memory_space<vmem>> -> memref<32xi32, #tpu.memory_space<vmem>>
    %dma_start3A_185 = arith.constant 0 : i32
    %dma_start3A_186 = arith.constant 0 : i32
    %dma_start3A_187 = arith.constant 0 : i32
    %dma_start3A_188 = tpu.memref_slice %arg2[%dma_start3A_185, %dma_start3A_186, %dma_start3A_187] : memref<1000x1x1024xf32, #tpu.memory_space<hbm>> -> memref<1000x1x1024xf32, #tpu.memory_space<hbm>>
    tpu.enqueue_indirect_dma source(%dma_start3A_188 : memref<1000x1x1024xf32, #tpu.memory_space<hbm>>) target(%arg8 : memref<32x1x1024xf32, #tpu.memory_space<vmem>>) offsets(%dma_start3A_184 : memref<32xi32, #tpu.memory_space<vmem>>) semaphore(%arg11 : memref<!tpu.dma_semaphore, #tpu.memory_space<semaphore_mem>>)
    %dma_wait3A_189 = arith.constant 224 : i32
    %dma_wait3A_190 = tpu.memref_slice %arg5[%dma_wait3A_189] : memref<512xi32, #tpu.memory_space<vmem>> -> memref<32xi32, #tpu.memory_space<vmem>>
    %dma_wait3A_191 = arith.constant 0 : i32
    %dma_wait3A_192 = arith.constant 0 : i32
    %dma_wait3A_193 = arith.constant 0 : i32
    %dma_wait3A_194 = tpu.memref_slice %arg2[%dma_wait3A_191, %dma_wait3A_192, %dma_wait3A_193] : memref<1000x1x1024xf32, #tpu.memory_space<hbm>> -> memref<1000x1x1024xf32, #tpu.memory_space<hbm>>
    tpu.wait_indirect_dma semaphore(%arg10 : memref<!tpu.dma_semaphore, #tpu.memory_space<semaphore_mem>>) src(%dma_wait3A_194 : memref<1000x1x1024xf32, #tpu.memory_space<hbm>>) dst(%arg7 : memref<32x1x1024xf32, #tpu.memory_space<vmem>>)
    %add3A_195 = arith.constant 224 : i32
    %add3A_196 = arith.addi %mul3A_2, %add3A_195 : i32
    %dma_start3A_197 = arith.constant 0 : i32
    %dma_start3A_198 = arith.constant 0 : i32
    %dma_start3A_199 = tpu.memref_slice %arg4[%add3A_196, %dma_start3A_197, %dma_start3A_198] : memref<16384x1x1024xf32, #tpu.memory_space<hbm>> -> memref<32x1x1024xf32, #tpu.memory_space<hbm>>
    %dma_start3A_200 = arith.constant 0 : i32
    %dma_start3A_201 = arith.constant 0 : i32
    %dma_start3A_202 = tpu.memref_slice %arg4[%add3A_196, %dma_start3A_200, %dma_start3A_201] : memref<16384x1x1024xf32, #tpu.memory_space<hbm>> -> memref<32x1x1024xf32, #tpu.memory_space<hbm>>
    tpu.enqueue_dma source(%arg7 : memref<32x1x1024xf32, #tpu.memory_space<vmem>>) target(%dma_start3A_202 : memref<32x1x1024xf32, #tpu.memory_space<hbm>>) target_semaphore(%arg13 : memref<!tpu.dma_semaphore, #tpu.memory_space<semaphore_mem>>)
    %dma_wait3A_203 = arith.constant 0 : i32
    %dma_wait3A_204 = arith.constant 0 : i32
    %dma_wait3A_205 = tpu.memref_slice %arg4[%add3A_170, %dma_wait3A_203, %dma_wait3A_204] : memref<16384x1x1024xf32, #tpu.memory_space<hbm>> -> memref<32x1x1024xf32, #tpu.memory_space<hbm>>
    %dma_wait3A_206 = arith.constant 0 : i32
    %dma_wait3A_207 = arith.constant 0 : i32
    %dma_wait3A_208 = tpu.memref_slice %arg4[%add3A_170, %dma_wait3A_206, %dma_wait3A_207] : memref<16384x1x1024xf32, #tpu.memory_space<hbm>> -> memref<32x1x1024xf32, #tpu.memory_space<hbm>>
    tpu.wait_dma2 semaphore(%arg12 : memref<!tpu.dma_semaphore, #tpu.memory_space<semaphore_mem>>) src(%arg6 : memref<32x1x1024xf32, #tpu.memory_space<vmem>>) dst(%dma_wait3A_208 : memref<32x1x1024xf32, #tpu.memory_space<hbm>>)
    %dma_start3A_209 = arith.constant 288 : i32
    %dma_start3A_210 = tpu.memref_slice %arg5[%dma_start3A_209] : memref<512xi32, #tpu.memory_space<vmem>> -> memref<32xi32, #tpu.memory_space<vmem>>
    %dma_start3A_211 = arith.constant 0 : i32
    %dma_start3A_212 = arith.constant 0 : i32
    %dma_start3A_213 = arith.constant 0 : i32
    %dma_start3A_214 = tpu.memref_slice %arg2[%dma_start3A_211, %dma_start3A_212, %dma_start3A_213] : memref<1000x1x1024xf32, #tpu.memory_space<hbm>> -> memref<1000x1x1024xf32, #tpu.memory_space<hbm>>
    tpu.enqueue_indirect_dma source(%dma_start3A_214 : memref<1000x1x1024xf32, #tpu.memory_space<hbm>>) target(%arg6 : memref<32x1x1024xf32, #tpu.memory_space<vmem>>) offsets(%dma_start3A_210 : memref<32xi32, #tpu.memory_space<vmem>>) semaphore(%arg9 : memref<!tpu.dma_semaphore, #tpu.memory_space<semaphore_mem>>)
    %dma_wait3A_215 = arith.constant 256 : i32
    %dma_wait3A_216 = tpu.memref_slice %arg5[%dma_wait3A_215] : memref<512xi32, #tpu.memory_space<vmem>> -> memref<32xi32, #tpu.memory_space<vmem>>
    %dma_wait3A_217 = arith.constant 0 : i32
    %dma_wait3A_218 = arith.constant 0 : i32
    %dma_wait3A_219 = arith.constant 0 : i32
    %dma_wait3A_220 = tpu.memref_slice %arg2[%dma_wait3A_217, %dma_wait3A_218, %dma_wait3A_219] : memref<1000x1x1024xf32, #tpu.memory_space<hbm>> -> memref<1000x1x1024xf32, #tpu.memory_space<hbm>>
    tpu.wait_indirect_dma semaphore(%arg11 : memref<!tpu.dma_semaphore, #tpu.memory_space<semaphore_mem>>) src(%dma_wait3A_220 : memref<1000x1x1024xf32, #tpu.memory_space<hbm>>) dst(%arg8 : memref<32x1x1024xf32, #tpu.memory_space<vmem>>)
    %add3A_221 = arith.constant 256 : i32
    %add3A_222 = arith.addi %mul3A_2, %add3A_221 : i32
    %dma_start3A_223 = arith.constant 0 : i32
    %dma_start3A_224 = arith.constant 0 : i32
    %dma_start3A_225 = tpu.memref_slice %arg4[%add3A_222, %dma_start3A_223, %dma_start3A_224] : memref<16384x1x1024xf32, #tpu.memory_space<hbm>> -> memref<32x1x1024xf32, #tpu.memory_space<hbm>>
    %dma_start3A_226 = arith.constant 0 : i32
    %dma_start3A_227 = arith.constant 0 : i32
    %dma_start3A_228 = tpu.memref_slice %arg4[%add3A_222, %dma_start3A_226, %dma_start3A_227] : memref<16384x1x1024xf32, #tpu.memory_space<hbm>> -> memref<32x1x1024xf32, #tpu.memory_space<hbm>>
    tpu.enqueue_dma source(%arg8 : memref<32x1x1024xf32, #tpu.memory_space<vmem>>) target(%dma_start3A_228 : memref<32x1x1024xf32, #tpu.memory_space<hbm>>) target_semaphore(%arg14 : memref<!tpu.dma_semaphore, #tpu.memory_space<semaphore_mem>>)
    %dma_wait3A_229 = arith.constant 0 : i32
    %dma_wait3A_230 = arith.constant 0 : i32
    %dma_wait3A_231 = tpu.memref_slice %arg4[%add3A_196, %dma_wait3A_229, %dma_wait3A_230] : memref<16384x1x1024xf32, #tpu.memory_space<hbm>> -> memref<32x1x1024xf32, #tpu.memory_space<hbm>>
    %dma_wait3A_232 = arith.constant 0 : i32
    %dma_wait3A_233 = arith.constant 0 : i32
    %dma_wait3A_234 = tpu.memref_slice %arg4[%add3A_196, %dma_wait3A_232, %dma_wait3A_233] : memref<16384x1x1024xf32, #tpu.memory_space<hbm>> -> memref<32x1x1024xf32, #tpu.memory_space<hbm>>
    tpu.wait_dma2 semaphore(%arg13 : memref<!tpu.dma_semaphore, #tpu.memory_space<semaphore_mem>>) src(%arg7 : memref<32x1x1024xf32, #tpu.memory_space<vmem>>) dst(%dma_wait3A_234 : memref<32x1x1024xf32, #tpu.memory_space<hbm>>)
    %dma_start3A_235 = arith.constant 320 : i32
    %dma_start3A_236 = tpu.memref_slice %arg5[%dma_start3A_235] : memref<512xi32, #tpu.memory_space<vmem>> -> memref<32xi32, #tpu.memory_space<vmem>>
    %dma_start3A_237 = arith.constant 0 : i32
    %dma_start3A_238 = arith.constant 0 : i32
    %dma_start3A_239 = arith.constant 0 : i32
    %dma_start3A_240 = tpu.memref_slice %arg2[%dma_start3A_237, %dma_start3A_238, %dma_start3A_239] : memref<1000x1x1024xf32, #tpu.memory_space<hbm>> -> memref<1000x1x1024xf32, #tpu.memory_space<hbm>>
    tpu.enqueue_indirect_dma source(%dma_start3A_240 : memref<1000x1x1024xf32, #tpu.memory_space<hbm>>) target(%arg7 : memref<32x1x1024xf32, #tpu.memory_space<vmem>>) offsets(%dma_start3A_236 : memref<32xi32, #tpu.memory_space<vmem>>) semaphore(%arg10 : memref<!tpu.dma_semaphore, #tpu.memory_space<semaphore_mem>>)
    %dma_wait3A_241 = arith.constant 288 : i32
    %dma_wait3A_242 = tpu.memref_slice %arg5[%dma_wait3A_241] : memref<512xi32, #tpu.memory_space<vmem>> -> memref<32xi32, #tpu.memory_space<vmem>>
    %dma_wait3A_243 = arith.constant 0 : i32
    %dma_wait3A_244 = arith.constant 0 : i32
    %dma_wait3A_245 = arith.constant 0 : i32
    %dma_wait3A_246 = tpu.memref_slice %arg2[%dma_wait3A_243, %dma_wait3A_244, %dma_wait3A_245] : memref<1000x1x1024xf32, #tpu.memory_space<hbm>> -> memref<1000x1x1024xf32, #tpu.memory_space<hbm>>
    tpu.wait_indirect_dma semaphore(%arg9 : memref<!tpu.dma_semaphore, #tpu.memory_space<semaphore_mem>>) src(%dma_wait3A_246 : memref<1000x1x1024xf32, #tpu.memory_space<hbm>>) dst(%arg6 : memref<32x1x1024xf32, #tpu.memory_space<vmem>>)
    %add3A_247 = arith.constant 288 : i32
    %add3A_248 = arith.addi %mul3A_2, %add3A_247 : i32
    %dma_start3A_249 = arith.constant 0 : i32
    %dma_start3A_250 = arith.constant 0 : i32
    %dma_start3A_251 = tpu.memref_slice %arg4[%add3A_248, %dma_start3A_249, %dma_start3A_250] : memref<16384x1x1024xf32, #tpu.memory_space<hbm>> -> memref<32x1x1024xf32, #tpu.memory_space<hbm>>
    %dma_start3A_252 = arith.constant 0 : i32
    %dma_start3A_253 = arith.constant 0 : i32
    %dma_start3A_254 = tpu.memref_slice %arg4[%add3A_248, %dma_start3A_252, %dma_start3A_253] : memref<16384x1x1024xf32, #tpu.memory_space<hbm>> -> memref<32x1x1024xf32, #tpu.memory_space<hbm>>
    tpu.enqueue_dma source(%arg6 : memref<32x1x1024xf32, #tpu.memory_space<vmem>>) target(%dma_start3A_254 : memref<32x1x1024xf32, #tpu.memory_space<hbm>>) target_semaphore(%arg12 : memref<!tpu.dma_semaphore, #tpu.memory_space<semaphore_mem>>)
    %dma_wait3A_255 = arith.constant 0 : i32
    %dma_wait3A_256 = arith.constant 0 : i32
    %dma_wait3A_257 = tpu.memref_slice %arg4[%add3A_222, %dma_wait3A_255, %dma_wait3A_256] : memref<16384x1x1024xf32, #tpu.memory_space<hbm>> -> memref<32x1x1024xf32, #tpu.memory_space<hbm>>
    %dma_wait3A_258 = arith.constant 0 : i32
    %dma_wait3A_259 = arith.constant 0 : i32
    %dma_wait3A_260 = tpu.memref_slice %arg4[%add3A_222, %dma_wait3A_258, %dma_wait3A_259] : memref<16384x1x1024xf32, #tpu.memory_space<hbm>> -> memref<32x1x1024xf32, #tpu.memory_space<hbm>>
    tpu.wait_dma2 semaphore(%arg14 : memref<!tpu.dma_semaphore, #tpu.memory_space<semaphore_mem>>) src(%arg8 : memref<32x1x1024xf32, #tpu.memory_space<vmem>>) dst(%dma_wait3A_260 : memref<32x1x1024xf32, #tpu.memory_space<hbm>>)
    %dma_start3A_261 = arith.constant 352 : i32
    %dma_start3A_262 = tpu.memref_slice %arg5[%dma_start3A_261] : memref<512xi32, #tpu.memory_space<vmem>> -> memref<32xi32, #tpu.memory_space<vmem>>
    %dma_start3A_263 = arith.constant 0 : i32
    %dma_start3A_264 = arith.constant 0 : i32
    %dma_start3A_265 = arith.constant 0 : i32
    %dma_start3A_266 = tpu.memref_slice %arg2[%dma_start3A_263, %dma_start3A_264, %dma_start3A_265] : memref<1000x1x1024xf32, #tpu.memory_space<hbm>> -> memref<1000x1x1024xf32, #tpu.memory_space<hbm>>
    tpu.enqueue_indirect_dma source(%dma_start3A_266 : memref<1000x1x1024xf32, #tpu.memory_space<hbm>>) target(%arg8 : memref<32x1x1024xf32, #tpu.memory_space<vmem>>) offsets(%dma_start3A_262 : memref<32xi32, #tpu.memory_space<vmem>>) semaphore(%arg11 : memref<!tpu.dma_semaphore, #tpu.memory_space<semaphore_mem>>)
    %dma_wait3A_267 = arith.constant 320 : i32
    %dma_wait3A_268 = tpu.memref_slice %arg5[%dma_wait3A_267] : memref<512xi32, #tpu.memory_space<vmem>> -> memref<32xi32, #tpu.memory_space<vmem>>
    %dma_wait3A_269 = arith.constant 0 : i32
    %dma_wait3A_270 = arith.constant 0 : i32
    %dma_wait3A_271 = arith.constant 0 : i32
    %dma_wait3A_272 = tpu.memref_slice %arg2[%dma_wait3A_269, %dma_wait3A_270, %dma_wait3A_271] : memref<1000x1x1024xf32, #tpu.memory_space<hbm>> -> memref<1000x1x1024xf32, #tpu.memory_space<hbm>>
    tpu.wait_indirect_dma semaphore(%arg10 : memref<!tpu.dma_semaphore, #tpu.memory_space<semaphore_mem>>) src(%dma_wait3A_272 : memref<1000x1x1024xf32, #tpu.memory_space<hbm>>) dst(%arg7 : memref<32x1x1024xf32, #tpu.memory_space<vmem>>)
    %add3A_273 = arith.constant 320 : i32
    %add3A_274 = arith.addi %mul3A_2, %add3A_273 : i32
    %dma_start3A_275 = arith.constant 0 : i32
    %dma_start3A_276 = arith.constant 0 : i32
    %dma_start3A_277 = tpu.memref_slice %arg4[%add3A_274, %dma_start3A_275, %dma_start3A_276] : memref<16384x1x1024xf32, #tpu.memory_space<hbm>> -> memref<32x1x1024xf32, #tpu.memory_space<hbm>>
    %dma_start3A_278 = arith.constant 0 : i32
    %dma_start3A_279 = arith.constant 0 : i32
    %dma_start3A_280 = tpu.memref_slice %arg4[%add3A_274, %dma_start3A_278, %dma_start3A_279] : memref<16384x1x1024xf32, #tpu.memory_space<hbm>> -> memref<32x1x1024xf32, #tpu.memory_space<hbm>>
    tpu.enqueue_dma source(%arg7 : memref<32x1x1024xf32, #tpu.memory_space<vmem>>) target(%dma_start3A_280 : memref<32x1x1024xf32, #tpu.memory_space<hbm>>) target_semaphore(%arg13 : memref<!tpu.dma_semaphore, #tpu.memory_space<semaphore_mem>>)
    %dma_wait3A_281 = arith.constant 0 : i32
    %dma_wait3A_282 = arith.constant 0 : i32
    %dma_wait3A_283 = tpu.memref_slice %arg4[%add3A_248, %dma_wait3A_281, %dma_wait3A_282] : memref<16384x1x1024xf32, #tpu.memory_space<hbm>> -> memref<32x1x1024xf32, #tpu.memory_space<hbm>>
    %dma_wait3A_284 = arith.constant 0 : i32
    %dma_wait3A_285 = arith.constant 0 : i32
    %dma_wait3A_286 = tpu.memref_slice %arg4[%add3A_248, %dma_wait3A_284, %dma_wait3A_285] : memref<16384x1x1024xf32, #tpu.memory_space<hbm>> -> memref<32x1x1024xf32, #tpu.memory_space<hbm>>
    tpu.wait_dma2 semaphore(%arg12 : memref<!tpu.dma_semaphore, #tpu.memory_space<semaphore_mem>>) src(%arg6 : memref<32x1x1024xf32, #tpu.memory_space<vmem>>) dst(%dma_wait3A_286 : memref<32x1x1024xf32, #tpu.memory_space<hbm>>)
    %dma_start3A_287 = arith.constant 384 : i32
    %dma_start3A_288 = tpu.memref_slice %arg5[%dma_start3A_287] : memref<512xi32, #tpu.memory_space<vmem>> -> memref<32xi32, #tpu.memory_space<vmem>>
    %dma_start3A_289 = arith.constant 0 : i32
    %dma_start3A_290 = arith.constant 0 : i32
    %dma_start3A_291 = arith.constant 0 : i32
    %dma_start3A_292 = tpu.memref_slice %arg2[%dma_start3A_289, %dma_start3A_290, %dma_start3A_291] : memref<1000x1x1024xf32, #tpu.memory_space<hbm>> -> memref<1000x1x1024xf32, #tpu.memory_space<hbm>>
    tpu.enqueue_indirect_dma source(%dma_start3A_292 : memref<1000x1x1024xf32, #tpu.memory_space<hbm>>) target(%arg6 : memref<32x1x1024xf32, #tpu.memory_space<vmem>>) offsets(%dma_start3A_288 : memref<32xi32, #tpu.memory_space<vmem>>) semaphore(%arg9 : memref<!tpu.dma_semaphore, #tpu.memory_space<semaphore_mem>>)
    %dma_wait3A_293 = arith.constant 352 : i32
    %dma_wait3A_294 = tpu.memref_slice %arg5[%dma_wait3A_293] : memref<512xi32, #tpu.memory_space<vmem>> -> memref<32xi32, #tpu.memory_space<vmem>>
    %dma_wait3A_295 = arith.constant 0 : i32
    %dma_wait3A_296 = arith.constant 0 : i32
    %dma_wait3A_297 = arith.constant 0 : i32
    %dma_wait3A_298 = tpu.memref_slice %arg2[%dma_wait3A_295, %dma_wait3A_296, %dma_wait3A_297] : memref<1000x1x1024xf32, #tpu.memory_space<hbm>> -> memref<1000x1x1024xf32, #tpu.memory_space<hbm>>
    tpu.wait_indirect_dma semaphore(%arg11 : memref<!tpu.dma_semaphore, #tpu.memory_space<semaphore_mem>>) src(%dma_wait3A_298 : memref<1000x1x1024xf32, #tpu.memory_space<hbm>>) dst(%arg8 : memref<32x1x1024xf32, #tpu.memory_space<vmem>>)
    %add3A_299 = arith.constant 352 : i32
    %add3A_300 = arith.addi %mul3A_2, %add3A_299 : i32
    %dma_start3A_301 = arith.constant 0 : i32
    %dma_start3A_302 = arith.constant 0 : i32
    %dma_start3A_303 = tpu.memref_slice %arg4[%add3A_300, %dma_start3A_301, %dma_start3A_302] : memref<16384x1x1024xf32, #tpu.memory_space<hbm>> -> memref<32x1x1024xf32, #tpu.memory_space<hbm>>
    %dma_start3A_304 = arith.constant 0 : i32
    %dma_start3A_305 = arith.constant 0 : i32
    %dma_start3A_306 = tpu.memref_slice %arg4[%add3A_300, %dma_start3A_304, %dma_start3A_305] : memref<16384x1x1024xf32, #tpu.memory_space<hbm>> -> memref<32x1x1024xf32, #tpu.memory_space<hbm>>
    tpu.enqueue_dma source(%arg8 : memref<32x1x1024xf32, #tpu.memory_space<vmem>>) target(%dma_start3A_306 : memref<32x1x1024xf32, #tpu.memory_space<hbm>>) target_semaphore(%arg14 : memref<!tpu.dma_semaphore, #tpu.memory_space<semaphore_mem>>)
    %dma_wait3A_307 = arith.constant 0 : i32
    %dma_wait3A_308 = arith.constant 0 : i32
    %dma_wait3A_309 = tpu.memref_slice %arg4[%add3A_274, %dma_wait3A_307, %dma_wait3A_308] : memref<16384x1x1024xf32, #tpu.memory_space<hbm>> -> memref<32x1x1024xf32, #tpu.memory_space<hbm>>
    %dma_wait3A_310 = arith.constant 0 : i32
    %dma_wait3A_311 = arith.constant 0 : i32
    %dma_wait3A_312 = tpu.memref_slice %arg4[%add3A_274, %dma_wait3A_310, %dma_wait3A_311] : memref<16384x1x1024xf32, #tpu.memory_space<hbm>> -> memref<32x1x1024xf32, #tpu.memory_space<hbm>>
    tpu.wait_dma2 semaphore(%arg13 : memref<!tpu.dma_semaphore, #tpu.memory_space<semaphore_mem>>) src(%arg7 : memref<32x1x1024xf32, #tpu.memory_space<vmem>>) dst(%dma_wait3A_312 : memref<32x1x1024xf32, #tpu.memory_space<hbm>>)
    %dma_start3A_313 = arith.constant 416 : i32
    %dma_start3A_314 = tpu.memref_slice %arg5[%dma_start3A_313] : memref<512xi32, #tpu.memory_space<vmem>> -> memref<32xi32, #tpu.memory_space<vmem>>
    %dma_start3A_315 = arith.constant 0 : i32
    %dma_start3A_316 = arith.constant 0 : i32
    %dma_start3A_317 = arith.constant 0 : i32
    %dma_start3A_318 = tpu.memref_slice %arg2[%dma_start3A_315, %dma_start3A_316, %dma_start3A_317] : memref<1000x1x1024xf32, #tpu.memory_space<hbm>> -> memref<1000x1x1024xf32, #tpu.memory_space<hbm>>
    tpu.enqueue_indirect_dma source(%dma_start3A_318 : memref<1000x1x1024xf32, #tpu.memory_space<hbm>>) target(%arg7 : memref<32x1x1024xf32, #tpu.memory_space<vmem>>) offsets(%dma_start3A_314 : memref<32xi32, #tpu.memory_space<vmem>>) semaphore(%arg10 : memref<!tpu.dma_semaphore, #tpu.memory_space<semaphore_mem>>)
    %dma_wait3A_319 = arith.constant 384 : i32
    %dma_wait3A_320 = tpu.memref_slice %arg5[%dma_wait3A_319] : memref<512xi32, #tpu.memory_space<vmem>> -> memref<32xi32, #tpu.memory_space<vmem>>
    %dma_wait3A_321 = arith.constant 0 : i32
    %dma_wait3A_322 = arith.constant 0 : i32
    %dma_wait3A_323 = arith.constant 0 : i32
    %dma_wait3A_324 = tpu.memref_slice %arg2[%dma_wait3A_321, %dma_wait3A_322, %dma_wait3A_323] : memref<1000x1x1024xf32, #tpu.memory_space<hbm>> -> memref<1000x1x1024xf32, #tpu.memory_space<hbm>>
    tpu.wait_indirect_dma semaphore(%arg9 : memref<!tpu.dma_semaphore, #tpu.memory_space<semaphore_mem>>) src(%dma_wait3A_324 : memref<1000x1x1024xf32, #tpu.memory_space<hbm>>) dst(%arg6 : memref<32x1x1024xf32, #tpu.memory_space<vmem>>)
    %add3A_325 = arith.constant 384 : i32
    %add3A_326 = arith.addi %mul3A_2, %add3A_325 : i32
    %dma_start3A_327 = arith.constant 0 : i32
    %dma_start3A_328 = arith.constant 0 : i32
    %dma_start3A_329 = tpu.memref_slice %arg4[%add3A_326, %dma_start3A_327, %dma_start3A_328] : memref<16384x1x1024xf32, #tpu.memory_space<hbm>> -> memref<32x1x1024xf32, #tpu.memory_space<hbm>>
    %dma_start3A_330 = arith.constant 0 : i32
    %dma_start3A_331 = arith.constant 0 : i32
    %dma_start3A_332 = tpu.memref_slice %arg4[%add3A_326, %dma_start3A_330, %dma_start3A_331] : memref<16384x1x1024xf32, #tpu.memory_space<hbm>> -> memref<32x1x1024xf32, #tpu.memory_space<hbm>>
    tpu.enqueue_dma source(%arg6 : memref<32x1x1024xf32, #tpu.memory_space<vmem>>) target(%dma_start3A_332 : memref<32x1x1024xf32, #tpu.memory_space<hbm>>) target_semaphore(%arg12 : memref<!tpu.dma_semaphore, #tpu.memory_space<semaphore_mem>>)
    %dma_wait3A_333 = arith.constant 0 : i32
    %dma_wait3A_334 = arith.constant 0 : i32
    %dma_wait3A_335 = tpu.memref_slice %arg4[%add3A_300, %dma_wait3A_333, %dma_wait3A_334] : memref<16384x1x1024xf32, #tpu.memory_space<hbm>> -> memref<32x1x1024xf32, #tpu.memory_space<hbm>>
    %dma_wait3A_336 = arith.constant 0 : i32
    %dma_wait3A_337 = arith.constant 0 : i32
    %dma_wait3A_338 = tpu.memref_slice %arg4[%add3A_300, %dma_wait3A_336, %dma_wait3A_337] : memref<16384x1x1024xf32, #tpu.memory_space<hbm>> -> memref<32x1x1024xf32, #tpu.memory_space<hbm>>
    tpu.wait_dma2 semaphore(%arg14 : memref<!tpu.dma_semaphore, #tpu.memory_space<semaphore_mem>>) src(%arg8 : memref<32x1x1024xf32, #tpu.memory_space<vmem>>) dst(%dma_wait3A_338 : memref<32x1x1024xf32, #tpu.memory_space<hbm>>)
    %dma_start3A_339 = arith.constant 448 : i32
    %dma_start3A_340 = tpu.memref_slice %arg5[%dma_start3A_339] : memref<512xi32, #tpu.memory_space<vmem>> -> memref<32xi32, #tpu.memory_space<vmem>>
    %dma_start3A_341 = arith.constant 0 : i32
    %dma_start3A_342 = arith.constant 0 : i32
    %dma_start3A_343 = arith.constant 0 : i32
    %dma_start3A_344 = tpu.memref_slice %arg2[%dma_start3A_341, %dma_start3A_342, %dma_start3A_343] : memref<1000x1x1024xf32, #tpu.memory_space<hbm>> -> memref<1000x1x1024xf32, #tpu.memory_space<hbm>>
    tpu.enqueue_indirect_dma source(%dma_start3A_344 : memref<1000x1x1024xf32, #tpu.memory_space<hbm>>) target(%arg8 : memref<32x1x1024xf32, #tpu.memory_space<vmem>>) offsets(%dma_start3A_340 : memref<32xi32, #tpu.memory_space<vmem>>) semaphore(%arg11 : memref<!tpu.dma_semaphore, #tpu.memory_space<semaphore_mem>>)
    %dma_wait3A_345 = arith.constant 416 : i32
    %dma_wait3A_346 = tpu.memref_slice %arg5[%dma_wait3A_345] : memref<512xi32, #tpu.memory_space<vmem>> -> memref<32xi32, #tpu.memory_space<vmem>>
    %dma_wait3A_347 = arith.constant 0 : i32
    %dma_wait3A_348 = arith.constant 0 : i32
    %dma_wait3A_349 = arith.constant 0 : i32
    %dma_wait3A_350 = tpu.memref_slice %arg2[%dma_wait3A_347, %dma_wait3A_348, %dma_wait3A_349] : memref<1000x1x1024xf32, #tpu.memory_space<hbm>> -> memref<1000x1x1024xf32, #tpu.memory_space<hbm>>
    tpu.wait_indirect_dma semaphore(%arg10 : memref<!tpu.dma_semaphore, #tpu.memory_space<semaphore_mem>>) src(%dma_wait3A_350 : memref<1000x1x1024xf32, #tpu.memory_space<hbm>>) dst(%arg7 : memref<32x1x1024xf32, #tpu.memory_space<vmem>>)
    %add3A_351 = arith.constant 416 : i32
    %add3A_352 = arith.addi %mul3A_2, %add3A_351 : i32
    %dma_start3A_353 = arith.constant 0 : i32
    %dma_start3A_354 = arith.constant 0 : i32
    %dma_start3A_355 = tpu.memref_slice %arg4[%add3A_352, %dma_start3A_353, %dma_start3A_354] : memref<16384x1x1024xf32, #tpu.memory_space<hbm>> -> memref<32x1x1024xf32, #tpu.memory_space<hbm>>
    %dma_start3A_356 = arith.constant 0 : i32
    %dma_start3A_357 = arith.constant 0 : i32
    %dma_start3A_358 = tpu.memref_slice %arg4[%add3A_352, %dma_start3A_356, %dma_start3A_357] : memref<16384x1x1024xf32, #tpu.memory_space<hbm>> -> memref<32x1x1024xf32, #tpu.memory_space<hbm>>
    tpu.enqueue_dma source(%arg7 : memref<32x1x1024xf32, #tpu.memory_space<vmem>>) target(%dma_start3A_358 : memref<32x1x1024xf32, #tpu.memory_space<hbm>>) target_semaphore(%arg13 : memref<!tpu.dma_semaphore, #tpu.memory_space<semaphore_mem>>)
    %dma_wait3A_359 = arith.constant 0 : i32
    %dma_wait3A_360 = arith.constant 0 : i32
    %dma_wait3A_361 = tpu.memref_slice %arg4[%add3A_326, %dma_wait3A_359, %dma_wait3A_360] : memref<16384x1x1024xf32, #tpu.memory_space<hbm>> -> memref<32x1x1024xf32, #tpu.memory_space<hbm>>
    %dma_wait3A_362 = arith.constant 0 : i32
    %dma_wait3A_363 = arith.constant 0 : i32
    %dma_wait3A_364 = tpu.memref_slice %arg4[%add3A_326, %dma_wait3A_362, %dma_wait3A_363] : memref<16384x1x1024xf32, #tpu.memory_space<hbm>> -> memref<32x1x1024xf32, #tpu.memory_space<hbm>>
    tpu.wait_dma2 semaphore(%arg12 : memref<!tpu.dma_semaphore, #tpu.memory_space<semaphore_mem>>) src(%arg6 : memref<32x1x1024xf32, #tpu.memory_space<vmem>>) dst(%dma_wait3A_364 : memref<32x1x1024xf32, #tpu.memory_space<hbm>>)
    %dma_start3A_365 = arith.constant 480 : i32
    %dma_start3A_366 = tpu.memref_slice %arg5[%dma_start3A_365] : memref<512xi32, #tpu.memory_space<vmem>> -> memref<32xi32, #tpu.memory_space<vmem>>
    %dma_start3A_367 = arith.constant 0 : i32
    %dma_start3A_368 = arith.constant 0 : i32
    %dma_start3A_369 = arith.constant 0 : i32
    %dma_start3A_370 = tpu.memref_slice %arg2[%dma_start3A_367, %dma_start3A_368, %dma_start3A_369] : memref<1000x1x1024xf32, #tpu.memory_space<hbm>> -> memref<1000x1x1024xf32, #tpu.memory_space<hbm>>
    tpu.enqueue_indirect_dma source(%dma_start3A_370 : memref<1000x1x1024xf32, #tpu.memory_space<hbm>>) target(%arg6 : memref<32x1x1024xf32, #tpu.memory_space<vmem>>) offsets(%dma_start3A_366 : memref<32xi32, #tpu.memory_space<vmem>>) semaphore(%arg9 : memref<!tpu.dma_semaphore, #tpu.memory_space<semaphore_mem>>)
    %dma_wait3A_371 = arith.constant 448 : i32
    %dma_wait3A_372 = tpu.memref_slice %arg5[%dma_wait3A_371] : memref<512xi32, #tpu.memory_space<vmem>> -> memref<32xi32, #tpu.memory_space<vmem>>
    %dma_wait3A_373 = arith.constant 0 : i32
    %dma_wait3A_374 = arith.constant 0 : i32
    %dma_wait3A_375 = arith.constant 0 : i32
    %dma_wait3A_376 = tpu.memref_slice %arg2[%dma_wait3A_373, %dma_wait3A_374, %dma_wait3A_375] : memref<1000x1x1024xf32, #tpu.memory_space<hbm>> -> memref<1000x1x1024xf32, #tpu.memory_space<hbm>>
    tpu.wait_indirect_dma semaphore(%arg11 : memref<!tpu.dma_semaphore, #tpu.memory_space<semaphore_mem>>) src(%dma_wait3A_376 : memref<1000x1x1024xf32, #tpu.memory_space<hbm>>) dst(%arg8 : memref<32x1x1024xf32, #tpu.memory_space<vmem>>)
    %add3A_377 = arith.constant 448 : i32
    %add3A_378 = arith.addi %mul3A_2, %add3A_377 : i32
    %dma_start3A_379 = arith.constant 0 : i32
    %dma_start3A_380 = arith.constant 0 : i32
    %dma_start3A_381 = tpu.memref_slice %arg4[%add3A_378, %dma_start3A_379, %dma_start3A_380] : memref<16384x1x1024xf32, #tpu.memory_space<hbm>> -> memref<32x1x1024xf32, #tpu.memory_space<hbm>>
    %dma_start3A_382 = arith.constant 0 : i32
    %dma_start3A_383 = arith.constant 0 : i32
    %dma_start3A_384 = tpu.memref_slice %arg4[%add3A_378, %dma_start3A_382, %dma_start3A_383] : memref<16384x1x1024xf32, #tpu.memory_space<hbm>> -> memref<32x1x1024xf32, #tpu.memory_space<hbm>>
    tpu.enqueue_dma source(%arg8 : memref<32x1x1024xf32, #tpu.memory_space<vmem>>) target(%dma_start3A_384 : memref<32x1x1024xf32, #tpu.memory_space<hbm>>) target_semaphore(%arg14 : memref<!tpu.dma_semaphore, #tpu.memory_space<semaphore_mem>>)
    %dma_wait3A_385 = arith.constant 480 : i32
    %dma_wait3A_386 = tpu.memref_slice %arg5[%dma_wait3A_385] : memref<512xi32, #tpu.memory_space<vmem>> -> memref<32xi32, #tpu.memory_space<vmem>>
    %dma_wait3A_387 = arith.constant 0 : i32
    %dma_wait3A_388 = arith.constant 0 : i32
    %dma_wait3A_389 = arith.constant 0 : i32
    %dma_wait3A_390 = tpu.memref_slice %arg2[%dma_wait3A_387, %dma_wait3A_388, %dma_wait3A_389] : memref<1000x1x1024xf32, #tpu.memory_space<hbm>> -> memref<1000x1x1024xf32, #tpu.memory_space<hbm>>
    tpu.wait_indirect_dma semaphore(%arg9 : memref<!tpu.dma_semaphore, #tpu.memory_space<semaphore_mem>>) src(%dma_wait3A_390 : memref<1000x1x1024xf32, #tpu.memory_space<hbm>>) dst(%arg6 : memref<32x1x1024xf32, #tpu.memory_space<vmem>>)
    %add3A_391 = arith.constant 480 : i32
    %add3A_392 = arith.addi %mul3A_2, %add3A_391 : i32
    %dma_start3A_393 = arith.constant 0 : i32
    %dma_start3A_394 = arith.constant 0 : i32
    %dma_start3A_395 = tpu.memref_slice %arg4[%add3A_392, %dma_start3A_393, %dma_start3A_394] : memref<16384x1x1024xf32, #tpu.memory_space<hbm>> -> memref<32x1x1024xf32, #tpu.memory_space<hbm>>
    %dma_start3A_396 = arith.constant 0 : i32
    %dma_start3A_397 = arith.constant 0 : i32
    %dma_start3A_398 = tpu.memref_slice %arg4[%add3A_392, %dma_start3A_396, %dma_start3A_397] : memref<16384x1x1024xf32, #tpu.memory_space<hbm>> -> memref<32x1x1024xf32, #tpu.memory_space<hbm>>
    tpu.enqueue_dma source(%arg6 : memref<32x1x1024xf32, #tpu.memory_space<vmem>>) target(%dma_start3A_398 : memref<32x1x1024xf32, #tpu.memory_space<hbm>>) target_semaphore(%arg12 : memref<!tpu.dma_semaphore, #tpu.memory_space<semaphore_mem>>)
    %dma_wait3A_399 = arith.constant 0 : i32
    %dma_wait3A_400 = arith.constant 0 : i32
    %dma_wait3A_401 = tpu.memref_slice %arg4[%add3A_392, %dma_wait3A_399, %dma_wait3A_400] : memref<16384x1x1024xf32, #tpu.memory_space<hbm>> -> memref<32x1x1024xf32, #tpu.memory_space<hbm>>
    %dma_wait3A_402 = arith.constant 0 : i32
    %dma_wait3A_403 = arith.constant 0 : i32
    %dma_wait3A_404 = tpu.memref_slice %arg4[%add3A_392, %dma_wait3A_402, %dma_wait3A_403] : memref<16384x1x1024xf32, #tpu.memory_space<hbm>> -> memref<32x1x1024xf32, #tpu.memory_space<hbm>>
    tpu.wait_dma2 semaphore(%arg12 : memref<!tpu.dma_semaphore, #tpu.memory_space<semaphore_mem>>) src(%arg6 : memref<32x1x1024xf32, #tpu.memory_space<vmem>>) dst(%dma_wait3A_404 : memref<32x1x1024xf32, #tpu.memory_space<hbm>>)
    %dma_wait3A_405 = arith.constant 0 : i32
    %dma_wait3A_406 = arith.constant 0 : i32
    %dma_wait3A_407 = tpu.memref_slice %arg4[%add3A_352, %dma_wait3A_405, %dma_wait3A_406] : memref<16384x1x1024xf32, #tpu.memory_space<hbm>> -> memref<32x1x1024xf32, #tpu.memory_space<hbm>>
    %dma_wait3A_408 = arith.constant 0 : i32
    %dma_wait3A_409 = arith.constant 0 : i32
    %dma_wait3A_410 = tpu.memref_slice %arg4[%add3A_352, %dma_wait3A_408, %dma_wait3A_409] : memref<16384x1x1024xf32, #tpu.memory_space<hbm>> -> memref<32x1x1024xf32, #tpu.memory_space<hbm>>
    tpu.wait_dma2 semaphore(%arg13 : memref<!tpu.dma_semaphore, #tpu.memory_space<semaphore_mem>>) src(%arg7 : memref<32x1x1024xf32, #tpu.memory_space<vmem>>) dst(%dma_wait3A_410 : memref<32x1x1024xf32, #tpu.memory_space<hbm>>)
    %dma_wait3A_411 = arith.constant 0 : i32
    %dma_wait3A_412 = arith.constant 0 : i32
    %dma_wait3A_413 = tpu.memref_slice %arg4[%add3A_378, %dma_wait3A_411, %dma_wait3A_412] : memref<16384x1x1024xf32, #tpu.memory_space<hbm>> -> memref<32x1x1024xf32, #tpu.memory_space<hbm>>
    %dma_wait3A_414 = arith.constant 0 : i32
    %dma_wait3A_415 = arith.constant 0 : i32
    %dma_wait3A_416 = tpu.memref_slice %arg4[%add3A_378, %dma_wait3A_414, %dma_wait3A_415] : memref<16384x1x1024xf32, #tpu.memory_space<hbm>> -> memref<32x1x1024xf32, #tpu.memory_space<hbm>>
    tpu.wait_dma2 semaphore(%arg14 : memref<!tpu.dma_semaphore, #tpu.memory_space<semaphore_mem>>) src(%arg8 : memref<32x1x1024xf32, #tpu.memory_space<vmem>>) dst(%dma_wait3A_416 : memref<32x1x1024xf32, #tpu.memory_space<hbm>>)
    return
  }
}

</mosaic_0001>

<sc_bundles>
// kernel: _pe_lookup.3.cloned.1.call-start
scs
__scs_entry_jumppad:
0x0: {  	(pc) =	sbr.rel $0x88, $3  }
0x1: {  	(tag) =	ssettag $0x0;
	lr =	simm.s32 $0x1  }
0x2: {  	[smem:$0x3F9F] =	sst lr;
	_ =	strace $0xD0000000  }
0x3: {  	_ = 	snop  }
0x4: {  	_ = 	snop  }
0x5: {  	_ = 	snop  }
0x6: {  	_ = 	snop  }
0x7: {  	_ = 	snop  }
__scs_overlays_trampoline_lowered:
0x8: {  	[smem:$0x3FAE] =	sst s0  }
0x9: {  	[smem:$0x3FAF] =	sst s1  }
0xa: {  	[smem:$0x3FB0] =	sst s2  }
0xb: {  	[smem:$0x3FB1] =	sst s3  }
0xc: {  	[smem:$0x3FB2] =	sst s4  }
0xd: {  	[smem:$0x3FB3] =	sst s5  }
0xe: {  	[smem:$0x3FB4] =	sst s6  }
0xf: {  	[smem:$0x3FB5] =	sst s7  }
0x10: {  	[smem:$0x3FB6] =	sst s8  }
0x11: {  	[smem:$0x3FB7] =	sst s9;
	s0 =	simm.s32 @!p0 $0x0  }
0x12: {  	s1 =	sld [smem:$0x3F9D];
	s0 =	simm.s32 @p0 $0x1  }
0x13: {  	[smem:$0x3FB8] =	sst s0;
	s0 =	simm.s32 @!p1 $0x0  }
0x14: {  	s2 =	sld [smem:$0x3F9C];
	s0 =	simm.s32 @p1 $0x1  }
0x15: {  	[smem:$0x3FB9] =	sst s0;
	s0 =	simm.s32 @!p2 $0x0  }
0x16: {  	s3 =	sld [smem:$0x3FDB];
	s0 =	simm.s32 @p2 $0x1  }
0x17: {  	s4 =	simm.s32 $0x1BF5;
	[smem:$0x3FBB] =	sst s0  }
0x18: {  	s0 =	sld [smem:$0x3F9E];
	_ =	swait.ge [sflag:s4], $0x0  }
0x19: {  	s7 =	sld [smem:$0x3F9F]  }
0x1a: {  	s8 =	sadd.s32 $0xFFFFE003, lr  }
0x1b: {  	s9 =	sadd.s32 $0xFFFFFEF7, lr;
	s5 =	simm.s32 $0xFFFFFFFF;
	p2 =	slt.u32 s8, $0xFFFFF086  }
0x1c: {  	p1 =	slt.u32 s9, $0xF7A;
	s5 =	simm.s32 @!p2 $0x0  }
0x1d: {  	s5 =	simm.s32 @p1 $0x1;
	p0 =	seq.s32 s7, s2  }
0x1e: {  	s7 =	smul.u32 @!p0 $0xF7A, s2;
	p2 =	seq.s32 @!p0 s5, $0x0  }
0x1f: {  	s9 =	smul.u32 $0xF7A, s1;
	s8 =	simm.s32 @!p0 $0x1BF5;
	p2 =	por !p2, p0  }
0x20: {  	[sflag:s8] =	ssyncset.s32 @!p0 $0xFFFFF086;
	s6 =	sadd.s32 @!p0 s3, s7;
	s7 =	simm.s32 @!p0 $0x108  }
0x21: {  	s3 =	sadd.s32 s3, s9;
	s6 =	sadd.s32 @!p0 $0x88, s6;
	s7 =	simm.s32 @p2 $0x1082  }
0x22: {  	[simem:s7], [sflag:s8] =	dma.local @!p0 [hbm:s6], $0xF7A  }
0x23: {  	s9 =	sor.u32 $0xD0000000, s2;
	s6 =	simm.s32 $0x108;
	_ =	swait.ge @!p0 [sflag:s8], $0x0  }
0x24: {  	s3 =	sadd.s32 $0x88, s3;
	s6 =	simm.s32 @!p1 $0x1082;
	[sflag:s4] =	ssyncset.s32 $0xFFFFF086  }
0x25: {  	[simem:s6], [sflag:s4] =	dma.local [hbm:s3], $0xF7A  }
0x26: {  	[smem:$0x3F9F] =	sst s1;
	(tag) =	ssettag s2;
	_ =	strace s9  }
0x27: {  	s1 =	sld [smem:$0x3FAF]  }
0x28: {  	s2 =	sld [smem:$0x3FB0]  }
0x29: {  	s4 =	sld [smem:$0x3FB2]  }
0x2a: {  	p0 =	seq.s32 s5, $0x0;
	s5 =	sld [smem:$0x3FB3]  }
0x2b: {  	s6 =	sld [smem:$0x3FB4]  }
0x2c: {  	s7 =	sld [smem:$0x3FB5]  }
0x2d: {  	s3 =	simm.s32 $0x108;
	s8 =	sld [smem:$0x3FB6]  }
0x2e: {  	s3 =	simm.s32 @!p0 $0x1082;
	s9 =	sld [smem:$0x3FB7]  }
0x2f: {  	lr =	sadd.s32 s0, s3;
	s0 =	sld [smem:$0x3FAE]  }
0x30: {  	s3 =	sld [smem:$0x3FB1]  }
0x31: {  	[smem:$0x3FBA] =	sst s10  }
0x32: {  	s10 =	sld [smem:$0x3FB8];
	_ =	sdelay $0x3  }
0x33: {  	p0 =	seq.s32 s10, $0x1;
	s10 =	sld [smem:$0x3FBA];
	_ =	sdelay $0x3  }
0x34: {  	[smem:$0x3FBA] =	sst s10  }
0x35: {  	s10 =	sld [smem:$0x3FB9];
	_ =	sdelay $0x3  }
0x36: {  	p1 =	seq.s32 s10, $0x1;
	s10 =	sld [smem:$0x3FBA];
	_ =	sdelay $0x3  }
0x37: {  	[smem:$0x3FBA] =	sst s10  }
0x38: {  	s10 =	sld [smem:$0x3FBB]  }
0x39: {  	_ = 	snop;
	(pc) =	sbr.ind lr, $3  }
0x3a: {  	_ = 	snop  }
0x3b: {  	_ = 	snop  }
0x3c: {  	p2 =	seq.s32 s10, $0x1;
	s10 =	sld [smem:$0x3FBA]  }
0x3d: {  	_ =	shalt  }
0x3e: {  	_ =	shalt  }
0x3f: {  	_ =	shalt  }
0x40: {  	_ =	shalt  }
0x41: {  	_ =	shalt  }
0x42: {  	_ =	shalt  }
0x43: {  	_ =	shalt  }
0x44: {  	_ =	shalt  }
0x45: {  	_ =	shalt  }
0x46: {  	_ =	shalt  }
0x47: {  	_ =	shalt  }
0x48: {  	_ =	shalt  }
0x49: {  	_ =	shalt  }
0x4a: {  	_ =	shalt  }
0x4b: {  	_ =	shalt  }
0x4c: {  	_ =	shalt  }
0x4d: {  	_ =	shalt  }
0x4e: {  	_ =	shalt  }
0x4f: {  	_ =	shalt  }
0x50: {  	_ =	shalt  }
0x51: {  	_ =	shalt  }
0x52: {  	_ =	shalt  }
0x53: {  	_ =	shalt  }
0x54: {  	_ =	shalt  }
0x55: {  	_ =	shalt  }
0x56: {  	_ =	shalt  }
0x57: {  	_ =	shalt  }
0x58: {  	_ =	shalt  }
0x59: {  	_ =	shalt  }
0x5a: {  	_ =	shalt  }
0x5b: {  	_ =	shalt  }
0x5c: {  	_ =	shalt  }
0x5d: {  	_ =	shalt  }
0x5e: {  	_ =	shalt  }
0x5f: {  	_ =	shalt  }
0x60: {  	_ =	shalt  }
0x61: {  	_ =	shalt  }
0x62: {  	_ =	shalt  }
0x63: {  	_ =	shalt  }
0x64: {  	_ =	shalt  }
0x65: {  	_ =	shalt  }
0x66: {  	_ =	shalt  }
0x67: {  	_ =	shalt  }
0x68: {  	_ =	shalt  }
0x69: {  	_ =	shalt  }
0x6a: {  	_ =	shalt  }
0x6b: {  	_ =	shalt  }
0x6c: {  	_ =	shalt  }
0x6d: {  	_ =	shalt  }
0x6e: {  	_ =	shalt  }
0x6f: {  	_ =	shalt  }
0x70: {  	_ =	shalt  }
0x71: {  	_ =	shalt  }
0x72: {  	_ =	shalt  }
0x73: {  	_ =	shalt  }
0x74: {  	_ =	shalt  }
0x75: {  	_ =	shalt  }
0x76: {  	_ =	shalt  }
0x77: {  	_ =	shalt  }
0x78: {  	_ =	shalt  }
0x79: {  	_ =	shalt  }
0x7a: {  	_ =	shalt  }
0x7b: {  	_ =	shalt  }
0x7c: {  	_ =	shalt  }
0x7d: {  	_ =	shalt  }
0x7e: {  	_ =	shalt  }
0x7f: {  	_ =	shalt  }
0x80: {  	_ =	shalt  }
0x81: {  	_ =	shalt  }
0x82: {  	_ =	shalt  }
0x83: {  	_ =	shalt  }
0x84: {  	_ =	shalt  }
0x85: {  	_ =	shalt  }
0x86: {  	_ =	shalt  }
0x87: {  	_ =	shalt  }
.Lfunc_end0:
.L_simem_size_0:
called_computation_lowered:
.L_overlay_start_0:
0x88: {  	s2 =	sld [smem:$0x3FD9]  }
0x89: {  	s3 =	sld [smem:$0x3FFE];
	_ =	sdelay $0x1  }
0x8a: {  	s1 =	srdreg.scid  }
0x8b: {  	s0 =	sand.u32 $0x1, s1  }
0x8c: {  	s18 =	sshll.u32 s0, $0xA;
	s2 =	sadd.s32 s3, s2  }
0x8d: {  	s2 =	sadd.s32 s2, s18  }
0x8e: {  	[smem:$0x3FC6] =	sst s2  }
0x8f: {  	_ = 	snop  }
0x90: {  	s2 =	sld [smem:$0x3FC9]  }
0x91: {  	s19 =	sld [smem:$0x3FC8]  }
0x92: {  	s4 =	sld [smem:$0x3FD0];
	(tm) =	ssettm $0x1  }
0x93: {  	s5 =	sld [smem:$0x3FFB];
	_ =	sdelay $0x3  }
0x94: {  	_ =	strace s5  }
0x95: {  	s5 =	sld [smem:$0x3FFC];
	_ =	sdelay $0x3  }
0x96: {  	_ =	strace s5  }
0x97: {  	s5 =	sld [smem:$0x3FFD];
	_ =	sdelay $0x3  }
0x98: {  	_ =	strace s5  }
0x99: {  	_ =	strace $0x8FFFFFFF  }
0x9a: {  	s20 =	sld [smem:$0x3FDB];
	_ =	sdelay $0x1  }
0x9b: {  	s6 =	simm.s32 $_scs_section_size  }
0x9c: {  	s7 =	simm.s32 $_size__tile_overlayer_lowered;
	s8 =	simm.s32 $_tile_overlayer_lowered  }
0x9d: {  	s23 =	simm.s32 $0x1BFF;
	s22 =	sshll.u32 s8, $0x1;
	s5 =	sadd.s32 s6, s20  }
0x9e: {  	s9 =	simm.s32 $0x0;
	s21 =	sshll.u32 s7, $0x1;
	s7 =	sadd.s32 s22, s5  }
0x9f: {  	[timem:s9], [sflag:s23] =	dma.local [hbm:s7], s21  }
0xa0: {  	_ =	swait.ge [sflag:s23], s21  }
0xa1: {  	s6 =	ssub.s32 $0x0, s21;
	[sflag:s23] =	ssyncset.done $0x0  }
0xa2: {  	[sflag:s23] =	ssyncadd.s32 s6;
	_ =	sdelay $0x1  }
0xa3: {  	s24 =	simm.s32 $0x1B8B  }
0xa4: {  	_ =	swait.ge [sflag:s24], $0x1  }
0xa5: {  	[sflag:s24] =	ssyncset.done $0x0  }
0xa6: {  	s25 =	simm.s32 $0x1B8E;
	[sflag:s24] =	ssyncadd.s32 $0xFFFFFFFF  }
0xa7: {  	s26 =	simm.s32 $execute0_lowered;
	[smem:$0x3FD2] =	sst s25  }
0xa8: {  	s6 =	sshll.u32 s26, $0x1;
	_ =	strace $0x80000046;
	[dreg:$0x1] =	wrdreg $0xFFFFFFFF  }
0xa9: {  	s28 =	simm.s32 $_size_execute0_lowered;
	s5 =	sadd.s32 s5, s6;
	[dreg:$0x0] =	wrdreg $0x0  }
0xaa: {  	s6 =	sshll.u32 s28, $0x1;
	[dreg:$0x2] =	wrdreg s5  }
0xab: {  	[dreg:$0x3] =	wrdreg s6  }
0xac: {  	[dreg:$0x4] =	wrdreg $0xC0  }
0xad: {  	_ =	task [dreg:s9], $0x5FFFF  }
0xae: {  	[dreg:$0x1] =	wrdreg $0xFFFFFFFF  }
0xaf: {  	[dreg:$0x0] =	wrdreg $0x60  }
0xb0: {  	[dreg:$0x2] =	wrdreg s2  }
0xb1: {  	[dreg:$0x3] =	wrdreg s19  }
0xb2: {  	[dreg:$0x4] =	wrdreg s4  }
0xb3: {  	[dreg:$0x5] =	wrdreg $0x9  }
0xb4: {  	_ =	task.clear_ibuf [dreg:s9], $0x6FFFF;
	_ =	strace $0x90000046  }
0xb5: {  	s29 =	simm.s32 $0x9;
	_ =	strace $0x80000048  }
0xb6: {  	_ =	swait.ge [sflag:s29], $0x1  }
0xb7: {  	[sflag:s29] =	ssyncadd.s32 $0xFFFFFFFF  }
0xb8: {  	_ =	strace $0x90000048  }
0xb9: {  	_ =	sfence  }
0xba: {  	s30 =	sld [smem:$0x0];
	_ =	sdelay $0x2  }
0xbb: {  	s31 =	sshll.u32 s1, $0xD;
	s1 =	sshrl.u32 s1, $0x2  }
0xbc: {  	s3 =	sand.u32 $0x4000, s31;
	s1 =	sadd.s32 s1, s30  }
0xbd: {  	s0 =	sor.u32 s3, s0;
	s1 =	sshll.u32 s1, $0x11  }
0xbe: {  	s0 =	sor.u32 s1, s0  }
0xbf: {  	s0 =	sadd.s32 $0x8F2B, s0  }
0xc0: {  	[sflag:s0] =	ssyncadd.remote.s32 $0x1  }
0xc1: {  	_ =	sfence.sel $0xFFFF  }
0xc2: {  	[dreg:$0x0] =	wrdreg $0xFFFFFFFF;
	(pc) =	sbr.abs _section_cstart, $3  }
0xc3: {  	[dreg:$0x1] =	wrdreg $0xFFFFFFFF  }
0xc4: {  	_ =	task.clear_ibuf [dreg:s9], $0x2FFFF;
	_ =	strace $0x9FFFFFFF  }
0xc5: {  	(tm) =	ssettm $0x7FFFFFFF  }
tec
execute0_lowered:
.L_overlay_start_1:
0x0: {  	(tag) =	ssettag $0x1  }
0x1: {  	s2 =	rddreg [dreg:$0x0]  }
0x2: {  	s0 =	srdreg.scid;
	s1 =	rddreg [dreg:$0x1]  }
0x3: {  	s3 =	stileid.u32;
	s4 =	rddreg [dreg:$0x2]  }
0x4: {  	s31 =	simm.s32 $0x7;
	s10 =	simm.s32 $0x20;
	s0 =	sand.u32 $0x1, s0  }
0x5: {  	s7 =	simm.s32 $0x1;
	s5 =	sshll.u32 s3, $0xA;
	s6 =	sshll.u32 s0, $0x9  }
0x6: {  	s30 =	simm.s32 $0x40;
	s8 =	simm.s32 $0x4;
	s5 =	sor.u32 s6, s5  }
0x7: {  	s3 =	simm.s32 $0x0;
	s6 =	sshrl.u32 s5, $0x3;
	s5 =	sshll.u32 s5, $0x7  }
0x8: {  	[smem:$0x7FF] =	sst s3;
	s1 =	sadd.s32 s1, s6;
	s23 =	sadd.s32 s4, s5  }
0x9: {  	_ =	strace $0x80000047;
	[dreg:$0x4] =	wrdreg s1;
	s11 =	sadd.s32 $0x1000, s23  }
0xa: {  	s29 =	simm.s32 $0x60;
	s12 =	sadd.s32 $0x2000, s23;
	[dreg:$0x5] =	wrdreg s11  }
0xb: {  	s9 =	simm.s32 $0x5;
	s13 =	sadd.s32 $0x3000, s23;
	[dreg:$0x6] =	wrdreg s12  }
0xc: {  	s28 =	simm.s32 $0x80;
	s14 =	sadd.s32 $0x4000, s23;
	[dreg:$0x7] =	wrdreg s13  }
0xd: {  	p0 =	por $0x0, $0x0;
	s15 =	sadd.s32 $0x5000, s23;
	[dreg:$0x8] =	wrdreg s14  }
0xe: {  	s0 =	ssub.s32 $0x2, s0;
	s16 =	sadd.s32 $0x6000, s23;
	[dreg:$0x9] =	wrdreg s15  }
0xf: {  	s25 =	sshrl.u32 s0, $0x1;
	s17 =	sadd.s32 $0x7000, s23;
	[dreg:$0xa] =	wrdreg s16  }
0x10: {  	s0 =	ssub.s32 s0, s25;
	s18 =	sadd.s32 $0x8000, s23;
	[dreg:$0xb] =	wrdreg s17  }
0x11: {  	s25 =	simm.s32 $0xC0;
	s19 =	sadd.s32 $0x9000, s23;
	[dreg:$0xc] =	wrdreg s18  }
0x12: {  	s0 =	smax.u32 s0, $0x1;
	s20 =	sadd.s32 $0xA000, s23;
	[dreg:$0xd] =	wrdreg s19  }
0x13: {  	s5 =	simm.s32 $0x200;
	s21 =	sadd.s32 $0xB000, s23;
	[dreg:$0xe] =	wrdreg s20  }
0x14: {  	s6 =	simm.s32 $0x6;
	s22 =	sadd.s32 $0xC000, s23;
	[dreg:$0xf] =	wrdreg s21  }
0x15: {  	s24 =	sadd.s32 $0xD000, s23;
	s26 =	sadd.s32 $0xE000, s23;
	[dreg:$0x10] =	wrdreg s22  }
0x16: {  	s4 =	sadd.s32 $0xF000, s23;
	p1 =	sne.s32 s0, $0x1;
	[dreg:$0x11] =	wrdreg s24  }
0x17: {  	s1 =	sadd.s32 $0xFFFFFFFF, s0;
	[dreg:$0x12] =	wrdreg s26;
	s13 =	simm.s32 $0x8200  }
.Ltmp0:
0x18: {  	s11 =	simm.s32 $0x10200;
	s14 =	simm.s32 $0x2;
	(pc) =	sbr.rel @!p1 .LBB2_3-.Ltmp0, $4  }
0x19: {  	s12 =	simm.s32 $0x3;
	s26 =	simm.s32 $0xA0;
	s24 =	simm.s32 $0xE0  }
0x1a: {  	s22 =	simm.s32 $0x100;
	s21 =	simm.s32 $0x120;
	s20 =	simm.s32 $0x140  }
0x1b: {  	s19 =	simm.s32 $0x160;
	s18 =	simm.s32 $0x180;
	s17 =	simm.s32 $0x1A0  }
0x1c: {  	s16 =	simm.s32 $0x1C0;
	s15 =	simm.s32 $0x1E0;
	s0 =	rddreg [dreg:$0x4]  }
0x1d: {  	[tilespmem:s3], [sflag:$0x7] =	stream.linear.gather [hbm4b:s0+s3], $0x200, $0x38;
	[tilespmem:$0x18200] =	vst v63  }
0x1e: {  	_ =	swait.ge [sflag:s31], $0x200  }
0x1f: {  	[sflag:s31] =	ssyncset.done $0x0  }
0x20: {  	[sflag:s31] =	ssyncadd.s32 $0xFFFFFE00  }
0x21: {  	[tilespmem:s5], [sflag:$0x1] =	stream.indirect.gather [hbm4b:s2+s10], $0x400, s3, s10, $0xb8;
	[tilespmem:$0x18200] =	vst v63  }
0x22: {  	_ = 	snop  }
0x23: {  	[tilespmem:s13], [sflag:$0x2] =	stream.indirect.gather [hbm4b:s2+s10], $0x400, s10, s10, $0xb8;
	[tilespmem:$0x18200] =	vst v63  }
0x24: {  	_ =	swait.ge [sflag:s7], $0x8000  }
0x25: {  	[sflag:s7] =	ssyncset.done $0x0  }
0x26: {  	[sflag:s7] =	ssyncadd.s32 $0xFFFF8000  }
0x27: {  	[hbm4b:s23+s3] =	stream.linear.scatter [tilespmem:s5], [sflag:$0x4], $0x8000, $0x38;
	[tilespmem:$0x18200] =	vst v63  }
0x28: {  	_ = 	snop  }
0x29: {  	[tilespmem:s11], [sflag:$0x3] =	stream.indirect.gather [hbm4b:s2+s10], $0x400, s30, s10, $0xb8;
	[tilespmem:$0x18200] =	vst v63  }
0x2a: {  	_ =	swait.ge [sflag:s14], $0x8000  }
0x2b: {  	[sflag:s14] =	ssyncset.done $0x0  }
0x2c: {  	s0 =	rddreg [dreg:$0x5];
	[sflag:s14] =	ssyncadd.s32 $0xFFFF8000  }
0x2d: {  	[hbm4b:s0+s3] =	stream.linear.scatter [tilespmem:s13], [sflag:$0x5], $0x8000, $0x38;
	[tilespmem:$0x18200] =	vst v63  }
0x2e: {  	_ =	swait.ge [sflag:s8], $0x8000  }
0x2f: {  	[sflag:s8] =	ssyncset.done $0x0  }
0x30: {  	[sflag:s8] =	ssyncadd.s32 $0xFFFF8000  }
0x31: {  	[tilespmem:s5], [sflag:$0x1] =	stream.indirect.gather [hbm4b:s2+s10], $0x400, s29, s10, $0xb8;
	[tilespmem:$0x18200] =	vst v63  }
0x32: {  	_ =	swait.ge [sflag:s12], $0x8000  }
0x33: {  	[sflag:s12] =	ssyncset.done $0x0  }
0x34: {  	s0 =	rddreg [dreg:$0x6];
	[sflag:s12] =	ssyncadd.s32 $0xFFFF8000  }
0x35: {  	[hbm4b:s0+s3] =	stream.linear.scatter [tilespmem:s11], [sflag:$0x6], $0x8000, $0x38;
	[tilespmem:$0x18200] =	vst v63  }
0x36: {  	_ =	swait.ge [sflag:s9], $0x8000  }
0x37: {  	[sflag:s9] =	ssyncset.done $0x0  }
0x38: {  	[sflag:s9] =	ssyncadd.s32 $0xFFFF8000  }
0x39: {  	[tilespmem:s13], [sflag:$0x2] =	stream.indirect.gather [hbm4b:s2+s10], $0x400, s28, s10, $0xb8;
	[tilespmem:$0x18200] =	vst v63  }
0x3a: {  	_ =	swait.ge [sflag:s7], $0x8000  }
0x3b: {  	[sflag:s7] =	ssyncset.done $0x0  }
0x3c: {  	s0 =	rddreg [dreg:$0x7];
	[sflag:s7] =	ssyncadd.s32 $0xFFFF8000  }
0x3d: {  	[hbm4b:s0+s3] =	stream.linear.scatter [tilespmem:s5], [sflag:$0x4], $0x8000, $0x38;
	[tilespmem:$0x18200] =	vst v63  }
0x3e: {  	_ =	swait.ge [sflag:s6], $0x8000  }
0x3f: {  	[sflag:s6] =	ssyncset.done $0x0  }
0x40: {  	[sflag:s6] =	ssyncadd.s32 $0xFFFF8000  }
0x41: {  	[tilespmem:s11], [sflag:$0x3] =	stream.indirect.gather [hbm4b:s2+s10], $0x400, s26, s10, $0xb8;
	[tilespmem:$0x18200] =	vst v63  }
0x42: {  	_ =	swait.ge [sflag:s14], $0x8000  }
0x43: {  	[sflag:s14] =	ssyncset.done $0x0  }
0x44: {  	s0 =	rddreg [dreg:$0x8];
	[sflag:s14] =	ssyncadd.s32 $0xFFFF8000  }
0x45: {  	[hbm4b:s0+s3] =	stream.linear.scatter [tilespmem:s13], [sflag:$0x5], $0x8000, $0x38;
	[tilespmem:$0x18200] =	vst v63  }
0x46: {  	_ =	swait.ge [sflag:s8], $0x8000  }
0x47: {  	[sflag:s8] =	ssyncset.done $0x0  }
0x48: {  	[sflag:s8] =	ssyncadd.s32 $0xFFFF8000  }
0x49: {  	[tilespmem:s5], [sflag:$0x1] =	stream.indirect.gather [hbm4b:s2+s10], $0x400, s25, s10, $0xb8;
	[tilespmem:$0x18200] =	vst v63  }
0x4a: {  	_ =	swait.ge [sflag:s12], $0x8000  }
0x4b: {  	[sflag:s12] =	ssyncset.done $0x0  }
0x4c: {  	s0 =	rddreg [dreg:$0x9];
	[sflag:s12] =	ssyncadd.s32 $0xFFFF8000  }
0x4d: {  	[hbm4b:s0+s3] =	stream.linear.scatter [tilespmem:s11], [sflag:$0x6], $0x8000, $0x38;
	[tilespmem:$0x18200] =	vst v63  }
0x4e: {  	_ =	swait.ge [sflag:s9], $0x8000  }
0x4f: {  	[sflag:s9] =	ssyncset.done $0x0  }
0x50: {  	[sflag:s9] =	ssyncadd.s32 $0xFFFF8000  }
0x51: {  	[tilespmem:s13], [sflag:$0x2] =	stream.indirect.gather [hbm4b:s2+s10], $0x400, s24, s10, $0xb8;
	[tilespmem:$0x18200] =	vst v63  }
0x52: {  	_ =	swait.ge [sflag:s7], $0x8000  }
0x53: {  	[sflag:s7] =	ssyncset.done $0x0  }
0x54: {  	s0 =	rddreg [dreg:$0xa];
	[sflag:s7] =	ssyncadd.s32 $0xFFFF8000  }
0x55: {  	[hbm4b:s0+s3] =	stream.linear.scatter [tilespmem:s5], [sflag:$0x4], $0x8000, $0x38;
	[tilespmem:$0x18200] =	vst v63  }
0x56: {  	_ =	swait.ge [sflag:s6], $0x8000  }
0x57: {  	[sflag:s6] =	ssyncset.done $0x0  }
0x58: {  	[sflag:s6] =	ssyncadd.s32 $0xFFFF8000  }
0x59: {  	[tilespmem:s11], [sflag:$0x3] =	stream.indirect.gather [hbm4b:s2+s10], $0x400, s22, s10, $0xb8;
	[tilespmem:$0x18200] =	vst v63  }
0x5a: {  	_ =	swait.ge [sflag:s14], $0x8000  }
0x5b: {  	[sflag:s14] =	ssyncset.done $0x0  }
0x5c: {  	s0 =	rddreg [dreg:$0xb];
	[sflag:s14] =	ssyncadd.s32 $0xFFFF8000  }
0x5d: {  	[hbm4b:s0+s3] =	stream.linear.scatter [tilespmem:s13], [sflag:$0x5], $0x8000, $0x38;
	[tilespmem:$0x18200] =	vst v63  }
0x5e: {  	_ =	swait.ge [sflag:s8], $0x8000  }
0x5f: {  	[sflag:s8] =	ssyncset.done $0x0  }
0x60: {  	[sflag:s8] =	ssyncadd.s32 $0xFFFF8000  }
0x61: {  	[tilespmem:s5], [sflag:$0x1] =	stream.indirect.gather [hbm4b:s2+s10], $0x400, s21, s10, $0xb8;
	[tilespmem:$0x18200] =	vst v63  }
0x62: {  	_ =	swait.ge [sflag:s12], $0x8000  }
0x63: {  	[sflag:s12] =	ssyncset.done $0x0  }
0x64: {  	s0 =	rddreg [dreg:$0xc];
	[sflag:s12] =	ssyncadd.s32 $0xFFFF8000  }
0x65: {  	[hbm4b:s0+s3] =	stream.linear.scatter [tilespmem:s11], [sflag:$0x6], $0x8000, $0x38;
	[tilespmem:$0x18200] =	vst v63  }
0x66: {  	_ =	swait.ge [sflag:s9], $0x8000  }
0x67: {  	[sflag:s9] =	ssyncset.done $0x0  }
0x68: {  	[sflag:s9] =	ssyncadd.s32 $0xFFFF8000  }
0x69: {  	[tilespmem:s13], [sflag:$0x2] =	stream.indirect.gather [hbm4b:s2+s10], $0x400, s20, s10, $0xb8;
	[tilespmem:$0x18200] =	vst v63  }
0x6a: {  	_ =	swait.ge [sflag:s7], $0x8000  }
0x6b: {  	[sflag:s7] =	ssyncset.done $0x0  }
0x6c: {  	s0 =	rddreg [dreg:$0xd];
	[sflag:s7] =	ssyncadd.s32 $0xFFFF8000  }
0x6d: {  	[hbm4b:s0+s3] =	stream.linear.scatter [tilespmem:s5], [sflag:$0x4], $0x8000, $0x38;
	[tilespmem:$0x18200] =	vst v63  }
0x6e: {  	_ =	swait.ge [sflag:s6], $0x8000  }
0x6f: {  	[sflag:s6] =	ssyncset.done $0x0  }
0x70: {  	[sflag:s6] =	ssyncadd.s32 $0xFFFF8000  }
0x71: {  	[tilespmem:s11], [sflag:$0x3] =	stream.indirect.gather [hbm4b:s2+s10], $0x400, s19, s10, $0xb8;
	[tilespmem:$0x18200] =	vst v63  }
0x72: {  	_ =	swait.ge [sflag:s14], $0x8000  }
0x73: {  	[sflag:s14] =	ssyncset.done $0x0  }
0x74: {  	s0 =	rddreg [dreg:$0xe];
	[sflag:s14] =	ssyncadd.s32 $0xFFFF8000  }
0x75: {  	[hbm4b:s0+s3] =	stream.linear.scatter [tilespmem:s13], [sflag:$0x5], $0x8000, $0x38;
	[tilespmem:$0x18200] =	vst v63  }
0x76: {  	_ =	swait.ge [sflag:s8], $0x8000  }
0x77: {  	[sflag:s8] =	ssyncset.done $0x0  }
0x78: {  	[sflag:s8] =	ssyncadd.s32 $0xFFFF8000  }
0x79: {  	[tilespmem:s5], [sflag:$0x1] =	stream.indirect.gather [hbm4b:s2+s10], $0x400, s18, s10, $0xb8;
	[tilespmem:$0x18200] =	vst v63  }
0x7a: {  	_ =	swait.ge [sflag:s12], $0x8000  }
0x7b: {  	[sflag:s12] =	ssyncset.done $0x0  }
0x7c: {  	s0 =	rddreg [dreg:$0xf];
	[sflag:s12] =	ssyncadd.s32 $0xFFFF8000  }
0x7d: {  	[hbm4b:s0+s3] =	stream.linear.scatter [tilespmem:s11], [sflag:$0x6], $0x8000, $0x38;
	[tilespmem:$0x18200] =	vst v63  }
0x7e: {  	_ =	swait.ge [sflag:s9], $0x8000  }
0x7f: {  	[sflag:s9] =	ssyncset.done $0x0  }
0x80: {  	[sflag:s9] =	ssyncadd.s32 $0xFFFF8000  }
0x81: {  	[tilespmem:s13], [sflag:$0x2] =	stream.indirect.gather [hbm4b:s2+s10], $0x400, s17, s10, $0xb8;
	[tilespmem:$0x18200] =	vst v63  }
0x82: {  	_ =	swait.ge [sflag:s7], $0x8000  }
0x83: {  	[sflag:s7] =	ssyncset.done $0x0  }
0x84: {  	s0 =	rddreg [dreg:$0x10];
	[sflag:s7] =	ssyncadd.s32 $0xFFFF8000  }
0x85: {  	[hbm4b:s0+s3] =	stream.linear.scatter [tilespmem:s5], [sflag:$0x4], $0x8000, $0x38;
	[tilespmem:$0x18200] =	vst v63  }
0x86: {  	_ =	swait.ge [sflag:s6], $0x8000  }
0x87: {  	[sflag:s6] =	ssyncset.done $0x0  }
0x88: {  	[sflag:s6] =	ssyncadd.s32 $0xFFFF8000  }
0x89: {  	[tilespmem:s11], [sflag:$0x3] =	stream.indirect.gather [hbm4b:s2+s10], $0x400, s16, s10, $0xb8;
	[tilespmem:$0x18200] =	vst v63  }
0x8a: {  	_ =	swait.ge [sflag:s14], $0x8000  }
0x8b: {  	[sflag:s14] =	ssyncset.done $0x0  }
0x8c: {  	s0 =	rddreg [dreg:$0x11];
	[sflag:s14] =	ssyncadd.s32 $0xFFFF8000  }
0x8d: {  	[hbm4b:s0+s3] =	stream.linear.scatter [tilespmem:s13], [sflag:$0x5], $0x8000, $0x38;
	[tilespmem:$0x18200] =	vst v63  }
0x8e: {  	_ =	swait.ge [sflag:s8], $0x8000  }
0x8f: {  	[sflag:s8] =	ssyncset.done $0x0  }
0x90: {  	[sflag:s8] =	ssyncadd.s32 $0xFFFF8000  }
0x91: {  	[tilespmem:s5], [sflag:$0x1] =	stream.indirect.gather [hbm4b:s2+s10], $0x400, s15, s10, $0xb8;
	[tilespmem:$0x18200] =	vst v63  }
0x92: {  	_ =	swait.ge [sflag:s12], $0x8000  }
0x93: {  	[sflag:s12] =	ssyncset.done $0x0  }
0x94: {  	s0 =	rddreg [dreg:$0x12];
	[sflag:s12] =	ssyncadd.s32 $0xFFFF8000  }
0x95: {  	[hbm4b:s0+s3] =	stream.linear.scatter [tilespmem:s11], [sflag:$0x6], $0x8000, $0x38;
	[tilespmem:$0x18200] =	vst v63  }
0x96: {  	_ =	swait.ge [sflag:s7], $0x8000  }
0x97: {  	[sflag:s7] =	ssyncset.done $0x0  }
0x98: {  	[sflag:s7] =	ssyncadd.s32 $0xFFFF8000  }
0x99: {  	[hbm4b:s4+s3] =	stream.linear.scatter [tilespmem:s5], [sflag:$0x4], $0x8000, $0x38;
	[tilespmem:$0x18200] =	vst v63  }
0x9a: {  	_ =	swait.ge [sflag:s8], $0x8000  }
0x9b: {  	[sflag:s8] =	ssyncset.done $0x0  }
0x9c: {  	p1 =	sne.s32 s1, $0x1;
	[sflag:s8] =	ssyncadd.s32 $0xFFFF8000  }
.Ltmp1:
0x9d: {  	_ =	swait.ge [sflag:s9], $0x8000;
	(pc) =	sbr.rel @!p1 .LBB2_3-.Ltmp1, $4  }
0x9e: {  	[sflag:s9] =	ssyncset.done $0x0  }
0x9f: {  	[sflag:s9] =	ssyncadd.s32 $0xFFFF8000  }
0xa0: {  	s1 =	sadd.s32 $0xFFFFFFFF, s1;
	_ =	swait.ge [sflag:s6], $0x8000  }
0xa1: {  	p0 =	por $0x1, $0x1;
	s0 =	rddreg [dreg:$0x4];
	[sflag:s6] =	ssyncset.done $0x0  }
.LBB2_2:
0xa2: {  	[sflag:s6] =	ssyncadd.s32 $0xFFFF8000  }
0xa3: {  	[tilespmem:s3], [sflag:$0x7] =	stream.linear.gather [hbm4b:s0+s3], $0x200, $0x38;
	[tilespmem:$0x18200] =	vst v63  }
0xa4: {  	_ =	swait.ge [sflag:s31], $0x200  }
0xa5: {  	[sflag:s31] =	ssyncset.done $0x0  }
0xa6: {  	[sflag:s31] =	ssyncadd.s32 $0xFFFFFE00  }
0xa7: {  	[tilespmem:s5], [sflag:$0x1] =	stream.indirect.gather [hbm4b:s2+s10], $0x400, s3, s10, $0xb8;
	[tilespmem:$0x18200] =	vst v63  }
0xa8: {  	_ = 	snop  }
0xa9: {  	[tilespmem:s13], [sflag:$0x2] =	stream.indirect.gather [hbm4b:s2+s10], $0x400, s10, s10, $0xb8;
	[tilespmem:$0x18200] =	vst v63  }
0xaa: {  	_ =	swait.ge [sflag:s7], $0x8000  }
0xab: {  	[sflag:s7] =	ssyncset.done $0x0  }
0xac: {  	[sflag:s7] =	ssyncadd.s32 $0xFFFF8000  }
0xad: {  	[hbm4b:s23+s3] =	stream.linear.scatter [tilespmem:s5], [sflag:$0x4], $0x8000, $0x38;
	[tilespmem:$0x18200] =	vst v63  }
0xae: {  	_ = 	snop  }
0xaf: {  	[tilespmem:s11], [sflag:$0x3] =	stream.indirect.gather [hbm4b:s2+s10], $0x400, s30, s10, $0xb8;
	[tilespmem:$0x18200] =	vst v63  }
0xb0: {  	_ =	swait.ge [sflag:s14], $0x8000  }
0xb1: {  	[sflag:s14] =	ssyncset.done $0x0  }
0xb2: {  	s0 =	rddreg [dreg:$0x5];
	[sflag:s14] =	ssyncadd.s32 $0xFFFF8000  }
0xb3: {  	[hbm4b:s0+s3] =	stream.linear.scatter [tilespmem:s13], [sflag:$0x5], $0x8000, $0x38;
	[tilespmem:$0x18200] =	vst v63  }
0xb4: {  	_ =	swait.ge [sflag:s8], $0x8000  }
0xb5: {  	[sflag:s8] =	ssyncset.done $0x0  }
0xb6: {  	[sflag:s8] =	ssyncadd.s32 $0xFFFF8000  }
0xb7: {  	[tilespmem:s5], [sflag:$0x1] =	stream.indirect.gather [hbm4b:s2+s10], $0x400, s29, s10, $0xb8;
	[tilespmem:$0x18200] =	vst v63  }
0xb8: {  	_ =	swait.ge [sflag:s12], $0x8000  }
0xb9: {  	[sflag:s12] =	ssyncset.done $0x0  }
0xba: {  	s0 =	rddreg [dreg:$0x6];
	[sflag:s12] =	ssyncadd.s32 $0xFFFF8000  }
0xbb: {  	[hbm4b:s0+s3] =	stream.linear.scatter [tilespmem:s11], [sflag:$0x6], $0x8000, $0x38;
	[tilespmem:$0x18200] =	vst v63  }
0xbc: {  	_ =	swait.ge [sflag:s9], $0x8000  }
0xbd: {  	[sflag:s9] =	ssyncset.done $0x0  }
0xbe: {  	[sflag:s9] =	ssyncadd.s32 $0xFFFF8000  }
0xbf: {  	[tilespmem:s13], [sflag:$0x2] =	stream.indirect.gather [hbm4b:s2+s10], $0x400, s28, s10, $0xb8;
	[tilespmem:$0x18200] =	vst v63  }
0xc0: {  	_ =	swait.ge [sflag:s7], $0x8000  }
0xc1: {  	[sflag:s7] =	ssyncset.done $0x0  }
0xc2: {  	s0 =	rddreg [dreg:$0x7];
	[sflag:s7] =	ssyncadd.s32 $0xFFFF8000  }
0xc3: {  	[hbm4b:s0+s3] =	stream.linear.scatter [tilespmem:s5], [sflag:$0x4], $0x8000, $0x38;
	[tilespmem:$0x18200] =	vst v63  }
0xc4: {  	_ =	swait.ge [sflag:s6], $0x8000  }
0xc5: {  	[sflag:s6] =	ssyncset.done $0x0  }
0xc6: {  	[sflag:s6] =	ssyncadd.s32 $0xFFFF8000  }
0xc7: {  	[tilespmem:s11], [sflag:$0x3] =	stream.indirect.gather [hbm4b:s2+s10], $0x400, s26, s10, $0xb8;
	[tilespmem:$0x18200] =	vst v63  }
0xc8: {  	_ =	swait.ge [sflag:s14], $0x8000  }
0xc9: {  	[sflag:s14] =	ssyncset.done $0x0  }
0xca: {  	s0 =	rddreg [dreg:$0x8];
	[sflag:s14] =	ssyncadd.s32 $0xFFFF8000  }
0xcb: {  	[hbm4b:s0+s3] =	stream.linear.scatter [tilespmem:s13], [sflag:$0x5], $0x8000, $0x38;
	[tilespmem:$0x18200] =	vst v63  }
0xcc: {  	_ =	swait.ge [sflag:s8], $0x8000  }
0xcd: {  	[sflag:s8] =	ssyncset.done $0x0  }
0xce: {  	[sflag:s8] =	ssyncadd.s32 $0xFFFF8000  }
0xcf: {  	[tilespmem:s5], [sflag:$0x1] =	stream.indirect.gather [hbm4b:s2+s10], $0x400, s25, s10, $0xb8;
	[tilespmem:$0x18200] =	vst v63  }
0xd0: {  	_ =	swait.ge [sflag:s12], $0x8000  }
0xd1: {  	[sflag:s12] =	ssyncset.done $0x0  }
0xd2: {  	s0 =	rddreg [dreg:$0x9];
	[sflag:s12] =	ssyncadd.s32 $0xFFFF8000  }
0xd3: {  	[hbm4b:s0+s3] =	stream.linear.scatter [tilespmem:s11], [sflag:$0x6], $0x8000, $0x38;
	[tilespmem:$0x18200] =	vst v63  }
0xd4: {  	_ =	swait.ge [sflag:s9], $0x8000  }
0xd5: {  	[sflag:s9] =	ssyncset.done $0x0  }
0xd6: {  	[sflag:s9] =	ssyncadd.s32 $0xFFFF8000  }
0xd7: {  	[tilespmem:s13], [sflag:$0x2] =	stream.indirect.gather [hbm4b:s2+s10], $0x400, s24, s10, $0xb8;
	[tilespmem:$0x18200] =	vst v63  }
0xd8: {  	_ =	swait.ge [sflag:s7], $0x8000  }
0xd9: {  	[sflag:s7] =	ssyncset.done $0x0  }
0xda: {  	s0 =	rddreg [dreg:$0xa];
	[sflag:s7] =	ssyncadd.s32 $0xFFFF8000  }
0xdb: {  	[hbm4b:s0+s3] =	stream.linear.scatter [tilespmem:s5], [sflag:$0x4], $0x8000, $0x38;
	[tilespmem:$0x18200] =	vst v63  }
0xdc: {  	_ =	swait.ge [sflag:s6], $0x8000  }
0xdd: {  	[sflag:s6] =	ssyncset.done $0x0  }
0xde: {  	[sflag:s6] =	ssyncadd.s32 $0xFFFF8000  }
0xdf: {  	[tilespmem:s11], [sflag:$0x3] =	stream.indirect.gather [hbm4b:s2+s10], $0x400, s22, s10, $0xb8;
	[tilespmem:$0x18200] =	vst v63  }
0xe0: {  	_ =	swait.ge [sflag:s14], $0x8000  }
0xe1: {  	[sflag:s14] =	ssyncset.done $0x0  }
0xe2: {  	s0 =	rddreg [dreg:$0xb];
	[sflag:s14] =	ssyncadd.s32 $0xFFFF8000  }
0xe3: {  	[hbm4b:s0+s3] =	stream.linear.scatter [tilespmem:s13], [sflag:$0x5], $0x8000, $0x38;
	[tilespmem:$0x18200] =	vst v63  }
0xe4: {  	_ =	swait.ge [sflag:s8], $0x8000  }
0xe5: {  	[sflag:s8] =	ssyncset.done $0x0  }
0xe6: {  	[sflag:s8] =	ssyncadd.s32 $0xFFFF8000  }
0xe7: {  	[tilespmem:s5], [sflag:$0x1] =	stream.indirect.gather [hbm4b:s2+s10], $0x400, s21, s10, $0xb8;
	[tilespmem:$0x18200] =	vst v63  }
0xe8: {  	_ =	swait.ge [sflag:s12], $0x8000  }
0xe9: {  	[sflag:s12] =	ssyncset.done $0x0  }
0xea: {  	s0 =	rddreg [dreg:$0xc];
	[sflag:s12] =	ssyncadd.s32 $0xFFFF8000  }
0xeb: {  	[hbm4b:s0+s3] =	stream.linear.scatter [tilespmem:s11], [sflag:$0x6], $0x8000, $0x38;
	[tilespmem:$0x18200] =	vst v63  }
0xec: {  	_ =	swait.ge [sflag:s9], $0x8000  }
0xed: {  	[sflag:s9] =	ssyncset.done $0x0  }
0xee: {  	[sflag:s9] =	ssyncadd.s32 $0xFFFF8000  }
0xef: {  	[tilespmem:s13], [sflag:$0x2] =	stream.indirect.gather [hbm4b:s2+s10], $0x400, s20, s10, $0xb8;
	[tilespmem:$0x18200] =	vst v63  }
0xf0: {  	_ =	swait.ge [sflag:s7], $0x8000  }
0xf1: {  	[sflag:s7] =	ssyncset.done $0x0  }
0xf2: {  	s0 =	rddreg [dreg:$0xd];
	[sflag:s7] =	ssyncadd.s32 $0xFFFF8000  }
0xf3: {  	[hbm4b:s0+s3] =	stream.linear.scatter [tilespmem:s5], [sflag:$0x4], $0x8000, $0x38;
	[tilespmem:$0x18200] =	vst v63  }
0xf4: {  	_ =	swait.ge [sflag:s6], $0x8000  }
0xf5: {  	[sflag:s6] =	ssyncset.done $0x0  }
0xf6: {  	[sflag:s6] =	ssyncadd.s32 $0xFFFF8000  }
0xf7: {  	[tilespmem:s11], [sflag:$0x3] =	stream.indirect.gather [hbm4b:s2+s10], $0x400, s19, s10, $0xb8;
	[tilespmem:$0x18200] =	vst v63  }
0xf8: {  	_ =	swait.ge [sflag:s14], $0x8000  }
0xf9: {  	[sflag:s14] =	ssyncset.done $0x0  }
0xfa: {  	s0 =	rddreg [dreg:$0xe];
	[sflag:s14] =	ssyncadd.s32 $0xFFFF8000  }
0xfb: {  	[hbm4b:s0+s3] =	stream.linear.scatter [tilespmem:s13], [sflag:$0x5], $0x8000, $0x38;
	[tilespmem:$0x18200] =	vst v63  }
0xfc: {  	_ =	swait.ge [sflag:s8], $0x8000  }
0xfd: {  	[sflag:s8] =	ssyncset.done $0x0  }
0xfe: {  	[sflag:s8] =	ssyncadd.s32 $0xFFFF8000  }
0xff: {  	[tilespmem:s5], [sflag:$0x1] =	stream.indirect.gather [hbm4b:s2+s10], $0x400, s18, s10, $0xb8;
	[tilespmem:$0x18200] =	vst v63  }
0x100: {  	_ =	swait.ge [sflag:s12], $0x8000  }
0x101: {  	[sflag:s12] =	ssyncset.done $0x0  }
0x102: {  	s0 =	rddreg [dreg:$0xf];
	[sflag:s12] =	ssyncadd.s32 $0xFFFF8000  }
0x103: {  	[hbm4b:s0+s3] =	stream.linear.scatter [tilespmem:s11], [sflag:$0x6], $0x8000, $0x38;
	[tilespmem:$0x18200] =	vst v63  }
0x104: {  	_ =	swait.ge [sflag:s9], $0x8000  }
0x105: {  	[sflag:s9] =	ssyncset.done $0x0  }
0x106: {  	[sflag:s9] =	ssyncadd.s32 $0xFFFF8000  }
0x107: {  	[tilespmem:s13], [sflag:$0x2] =	stream.indirect.gather [hbm4b:s2+s10], $0x400, s17, s10, $0xb8;
	[tilespmem:$0x18200] =	vst v63  }
0x108: {  	_ =	swait.ge [sflag:s7], $0x8000  }
0x109: {  	[sflag:s7] =	ssyncset.done $0x0  }
0x10a: {  	s0 =	rddreg [dreg:$0x10];
	[sflag:s7] =	ssyncadd.s32 $0xFFFF8000  }
0x10b: {  	[hbm4b:s0+s3] =	stream.linear.scatter [tilespmem:s5], [sflag:$0x4], $0x8000, $0x38;
	[tilespmem:$0x18200] =	vst v63  }
0x10c: {  	_ =	swait.ge [sflag:s6], $0x8000  }
0x10d: {  	[sflag:s6] =	ssyncset.done $0x0  }
0x10e: {  	[sflag:s6] =	ssyncadd.s32 $0xFFFF8000  }
0x10f: {  	[tilespmem:s11], [sflag:$0x3] =	stream.indirect.gather [hbm4b:s2+s10], $0x400, s16, s10, $0xb8;
	[tilespmem:$0x18200] =	vst v63  }
0x110: {  	_ =	swait.ge [sflag:s14], $0x8000  }
0x111: {  	[sflag:s14] =	ssyncset.done $0x0  }
0x112: {  	s0 =	rddreg [dreg:$0x11];
	[sflag:s14] =	ssyncadd.s32 $0xFFFF8000  }
0x113: {  	[hbm4b:s0+s3] =	stream.linear.scatter [tilespmem:s13], [sflag:$0x5], $0x8000, $0x38;
	[tilespmem:$0x18200] =	vst v63  }
0x114: {  	_ =	swait.ge [sflag:s8], $0x8000  }
0x115: {  	[sflag:s8] =	ssyncset.done $0x0  }
0x116: {  	[sflag:s8] =	ssyncadd.s32 $0xFFFF8000  }
0x117: {  	[tilespmem:s5], [sflag:$0x1] =	stream.indirect.gather [hbm4b:s2+s10], $0x400, s15, s10, $0xb8;
	[tilespmem:$0x18200] =	vst v63  }
0x118: {  	_ =	swait.ge [sflag:s12], $0x8000  }
0x119: {  	[sflag:s12] =	ssyncset.done $0x0  }
0x11a: {  	s0 =	rddreg [dreg:$0x12];
	[sflag:s12] =	ssyncadd.s32 $0xFFFF8000  }
0x11b: {  	[hbm4b:s0+s3] =	stream.linear.scatter [tilespmem:s11], [sflag:$0x6], $0x8000, $0x38;
	[tilespmem:$0x18200] =	vst v63  }
0x11c: {  	_ =	swait.ge [sflag:s7], $0x8000  }
0x11d: {  	[sflag:s7] =	ssyncset.done $0x0  }
0x11e: {  	[sflag:s7] =	ssyncadd.s32 $0xFFFF8000  }
0x11f: {  	[hbm4b:s4+s3] =	stream.linear.scatter [tilespmem:s5], [sflag:$0x4], $0x8000, $0x38;
	[tilespmem:$0x18200] =	vst v63  }
0x120: {  	_ =	swait.ge [sflag:s8], $0x8000  }
0x121: {  	[sflag:s8] =	ssyncset.done $0x0  }
0x122: {  	p1 =	sne.s32 s1, $0x1;
	[sflag:s8] =	ssyncadd.s32 $0xFFFF8000  }
.Ltmp2:
0x123: {  	_ =	swait.ge [sflag:s9], $0x8000;
	(pc) =	sbr.rel @p1 .LBB2_2-.Ltmp2, $4  }
0x124: {  	[sflag:s9] =	ssyncset.done $0x0  }
0x125: {  	[sflag:s9] =	ssyncadd.s32 $0xFFFF8000  }
0x126: {  	_ =	swait.ge [sflag:s6], $0x8000  }
0x127: {  	s1 =	sadd.s32 $0xFFFFFFFF, s1;
	s0 =	rddreg [dreg:$0x4];
	[sflag:s6] =	ssyncset.done $0x0  }
.LBB2_3:
0x128: {  	[sflag:s6] =	ssyncadd.s32 @p0 $0xFFFF8000  }
0x129: {  	[tilespmem:s3], [sflag:$0x7] =	stream.linear.gather [hbm4b:s0+s3], $0x200, $0x38;
	[tilespmem:$0x18200] =	vst v63  }
0x12a: {  	_ =	swait.ge [sflag:s31], $0x200  }
0x12b: {  	[sflag:s31] =	ssyncset.done $0x0  }
0x12c: {  	[sflag:s31] =	ssyncadd.s32 $0xFFFFFE00  }
0x12d: {  	[tilespmem:s5], [sflag:$0x1] =	stream.indirect.gather [hbm4b:s2+s10], $0x400, s3, s10, $0xb8;
	[tilespmem:$0x18200] =	vst v63  }
0x12e: {  	_ = 	snop  }
0x12f: {  	[tilespmem:s13], [sflag:$0x2] =	stream.indirect.gather [hbm4b:s2+s10], $0x400, s10, s10, $0xb8;
	[tilespmem:$0x18200] =	vst v63  }
0x130: {  	_ =	swait.ge [sflag:s7], $0x8000  }
0x131: {  	[sflag:s7] =	ssyncset.done $0x0  }
0x132: {  	[sflag:s7] =	ssyncadd.s32 $0xFFFF8000  }
0x133: {  	[hbm4b:s23+s3] =	stream.linear.scatter [tilespmem:s5], [sflag:$0x4], $0x8000, $0x38;
	[tilespmem:$0x18200] =	vst v63  }
0x134: {  	_ = 	snop  }
0x135: {  	[tilespmem:s11], [sflag:$0x3] =	stream.indirect.gather [hbm4b:s2+s10], $0x400, s30, s10, $0xb8;
	[tilespmem:$0x18200] =	vst v63  }
0x136: {  	_ =	swait.ge [sflag:s14], $0x8000  }
0x137: {  	[sflag:s14] =	ssyncset.done $0x0  }
0x138: {  	s1 =	rddreg [dreg:$0x5];
	[sflag:s14] =	ssyncadd.s32 $0xFFFF8000  }
0x139: {  	[hbm4b:s1+s3] =	stream.linear.scatter [tilespmem:s13], [sflag:$0x5], $0x8000, $0x38;
	[tilespmem:$0x18200] =	vst v63  }
0x13a: {  	_ =	swait.ge [sflag:s8], $0x8000  }
0x13b: {  	[sflag:s8] =	ssyncset.done $0x0  }
0x13c: {  	[sflag:s8] =	ssyncadd.s32 $0xFFFF8000  }
0x13d: {  	[tilespmem:s5], [sflag:$0x1] =	stream.indirect.gather [hbm4b:s2+s10], $0x400, s29, s10, $0xb8;
	[tilespmem:$0x18200] =	vst v63  }
0x13e: {  	_ =	swait.ge [sflag:s12], $0x8000  }
0x13f: {  	[sflag:s12] =	ssyncset.done $0x0  }
0x140: {  	s23 =	rddreg [dreg:$0x6];
	[sflag:s12] =	ssyncadd.s32 $0xFFFF8000  }
0x141: {  	[hbm4b:s23+s3] =	stream.linear.scatter [tilespmem:s11], [sflag:$0x6], $0x8000, $0x38;
	[tilespmem:$0x18200] =	vst v63  }
0x142: {  	_ =	swait.ge [sflag:s9], $0x8000  }
0x143: {  	[sflag:s9] =	ssyncset.done $0x0  }
0x144: {  	[sflag:s9] =	ssyncadd.s32 $0xFFFF8000  }
0x145: {  	[tilespmem:s13], [sflag:$0x2] =	stream.indirect.gather [hbm4b:s2+s10], $0x400, s28, s10, $0xb8;
	[tilespmem:$0x18200] =	vst v63  }
0x146: {  	_ =	swait.ge [sflag:s7], $0x8000  }
0x147: {  	[sflag:s7] =	ssyncset.done $0x0  }
0x148: {  	s29 =	rddreg [dreg:$0x7];
	[sflag:s7] =	ssyncadd.s32 $0xFFFF8000  }
0x149: {  	[hbm4b:s29+s3] =	stream.linear.scatter [tilespmem:s5], [sflag:$0x4], $0x8000, $0x38;
	[tilespmem:$0x18200] =	vst v63  }
0x14a: {  	_ =	swait.ge [sflag:s6], $0x8000  }
0x14b: {  	[sflag:s6] =	ssyncset.done $0x0  }
0x14c: {  	[sflag:s6] =	ssyncadd.s32 $0xFFFF8000  }
0x14d: {  	[tilespmem:s11], [sflag:$0x3] =	stream.indirect.gather [hbm4b:s2+s10], $0x400, s26, s10, $0xb8;
	[tilespmem:$0x18200] =	vst v63  }
0x14e: {  	_ =	swait.ge [sflag:s14], $0x8000  }
0x14f: {  	[sflag:s14] =	ssyncset.done $0x0  }
0x150: {  	s30 =	rddreg [dreg:$0x8];
	[sflag:s14] =	ssyncadd.s32 $0xFFFF8000  }
0x151: {  	[hbm4b:s30+s3] =	stream.linear.scatter [tilespmem:s13], [sflag:$0x5], $0x8000, $0x38;
	[tilespmem:$0x18200] =	vst v63  }
0x152: {  	_ =	swait.ge [sflag:s8], $0x8000  }
0x153: {  	[sflag:s8] =	ssyncset.done $0x0  }
0x154: {  	[sflag:s8] =	ssyncadd.s32 $0xFFFF8000  }
0x155: {  	[tilespmem:s5], [sflag:$0x1] =	stream.indirect.gather [hbm4b:s2+s10], $0x400, s25, s10, $0xb8;
	[tilespmem:$0x18200] =	vst v63  }
0x156: {  	_ =	swait.ge [sflag:s12], $0x8000  }
0x157: {  	[sflag:s12] =	ssyncset.done $0x0  }
0x158: {  	s31 =	rddreg [dreg:$0x9];
	[sflag:s12] =	ssyncadd.s32 $0xFFFF8000  }
0x159: {  	[hbm4b:s31+s3] =	stream.linear.scatter [tilespmem:s11], [sflag:$0x6], $0x8000, $0x38;
	[tilespmem:$0x18200] =	vst v63  }
0x15a: {  	_ =	swait.ge [sflag:s9], $0x8000  }
0x15b: {  	[sflag:s9] =	ssyncset.done $0x0  }
0x15c: {  	[sflag:s9] =	ssyncadd.s32 $0xFFFF8000  }
0x15d: {  	[tilespmem:s13], [sflag:$0x2] =	stream.indirect.gather [hbm4b:s2+s10], $0x400, s24, s10, $0xb8;
	[tilespmem:$0x18200] =	vst v63  }
0x15e: {  	_ =	swait.ge [sflag:s7], $0x8000  }
0x15f: {  	[sflag:s7] =	ssyncset.done $0x0  }
0x160: {  	s1 =	rddreg [dreg:$0xa];
	[sflag:s7] =	ssyncadd.s32 $0xFFFF8000  }
0x161: {  	[hbm4b:s1+s3] =	stream.linear.scatter [tilespmem:s5], [sflag:$0x4], $0x8000, $0x38;
	[tilespmem:$0x18200] =	vst v63  }
0x162: {  	_ =	swait.ge [sflag:s6], $0x8000  }
0x163: {  	[sflag:s6] =	ssyncset.done $0x0  }
0x164: {  	[sflag:s6] =	ssyncadd.s32 $0xFFFF8000  }
0x165: {  	[tilespmem:s11], [sflag:$0x3] =	stream.indirect.gather [hbm4b:s2+s10], $0x400, s22, s10, $0xb8;
	[tilespmem:$0x18200] =	vst v63  }
0x166: {  	_ =	swait.ge [sflag:s14], $0x8000  }
0x167: {  	[sflag:s14] =	ssyncset.done $0x0  }
0x168: {  	s22 =	rddreg [dreg:$0xb];
	[sflag:s14] =	ssyncadd.s32 $0xFFFF8000  }
0x169: {  	[hbm4b:s22+s3] =	stream.linear.scatter [tilespmem:s13], [sflag:$0x5], $0x8000, $0x38;
	[tilespmem:$0x18200] =	vst v63  }
0x16a: {  	_ =	swait.ge [sflag:s8], $0x8000  }
0x16b: {  	[sflag:s8] =	ssyncset.done $0x0  }
0x16c: {  	[sflag:s8] =	ssyncadd.s32 $0xFFFF8000  }
0x16d: {  	[tilespmem:s5], [sflag:$0x1] =	stream.indirect.gather [hbm4b:s2+s10], $0x400, s21, s10, $0xb8;
	[tilespmem:$0x18200] =	vst v63  }
0x16e: {  	_ =	swait.ge [sflag:s12], $0x8000  }
0x16f: {  	[sflag:s12] =	ssyncset.done $0x0  }
0x170: {  	s23 =	rddreg [dreg:$0xc];
	[sflag:s12] =	ssyncadd.s32 $0xFFFF8000  }
0x171: {  	[hbm4b:s23+s3] =	stream.linear.scatter [tilespmem:s11], [sflag:$0x6], $0x8000, $0x38;
	[tilespmem:$0x18200] =	vst v63  }
0x172: {  	_ =	swait.ge [sflag:s9], $0x8000  }
0x173: {  	[sflag:s9] =	ssyncset.done $0x0  }
0x174: {  	[sflag:s9] =	ssyncadd.s32 $0xFFFF8000  }
0x175: {  	[tilespmem:s13], [sflag:$0x2] =	stream.indirect.gather [hbm4b:s2+s10], $0x400, s20, s10, $0xb8;
	[tilespmem:$0x18200] =	vst v63  }
0x176: {  	_ =	swait.ge [sflag:s7], $0x8000  }
0x177: {  	[sflag:s7] =	ssyncset.done $0x0  }
0x178: {  	s24 =	rddreg [dreg:$0xd];
	[sflag:s7] =	ssyncadd.s32 $0xFFFF8000  }
0x179: {  	[hbm4b:s24+s3] =	stream.linear.scatter [tilespmem:s5], [sflag:$0x4], $0x8000, $0x38;
	[tilespmem:$0x18200] =	vst v63  }
0x17a: {  	_ =	swait.ge [sflag:s6], $0x8000  }
0x17b: {  	[sflag:s6] =	ssyncset.done $0x0  }
0x17c: {  	[sflag:s6] =	ssyncadd.s32 $0xFFFF8000  }
0x17d: {  	[tilespmem:s11], [sflag:$0x3] =	stream.indirect.gather [hbm4b:s2+s10], $0x400, s19, s10, $0xb8;
	[tilespmem:$0x18200] =	vst v63  }
0x17e: {  	_ =	swait.ge [sflag:s14], $0x8000  }
0x17f: {  	[sflag:s14] =	ssyncset.done $0x0  }
0x180: {  	s25 =	rddreg [dreg:$0xe];
	[sflag:s14] =	ssyncadd.s32 $0xFFFF8000  }
0x181: {  	[hbm4b:s25+s3] =	stream.linear.scatter [tilespmem:s13], [sflag:$0x5], $0x8000, $0x38;
	[tilespmem:$0x18200] =	vst v63  }
0x182: {  	_ =	swait.ge [sflag:s8], $0x8000  }
0x183: {  	[sflag:s8] =	ssyncset.done $0x0  }
0x184: {  	[sflag:s8] =	ssyncadd.s32 $0xFFFF8000  }
0x185: {  	[tilespmem:s5], [sflag:$0x1] =	stream.indirect.gather [hbm4b:s2+s10], $0x400, s18, s10, $0xb8;
	[tilespmem:$0x18200] =	vst v63  }
0x186: {  	_ =	swait.ge [sflag:s12], $0x8000  }
0x187: {  	[sflag:s12] =	ssyncset.done $0x0  }
0x188: {  	s26 =	rddreg [dreg:$0xf];
	[sflag:s12] =	ssyncadd.s32 $0xFFFF8000  }
0x189: {  	[hbm4b:s26+s3] =	stream.linear.scatter [tilespmem:s11], [sflag:$0x6], $0x8000, $0x38;
	[tilespmem:$0x18200] =	vst v63  }
0x18a: {  	_ =	swait.ge [sflag:s9], $0x8000  }
0x18b: {  	[sflag:s9] =	ssyncset.done $0x0  }
0x18c: {  	[sflag:s9] =	ssyncadd.s32 $0xFFFF8000  }
0x18d: {  	[tilespmem:s13], [sflag:$0x2] =	stream.indirect.gather [hbm4b:s2+s10], $0x400, s17, s10, $0xb8;
	[tilespmem:$0x18200] =	vst v63  }
0x18e: {  	_ =	swait.ge [sflag:s7], $0x8000  }
0x18f: {  	[sflag:s7] =	ssyncset.done $0x0  }
0x190: {  	s28 =	rddreg [dreg:$0x10];
	[sflag:s7] =	ssyncadd.s32 $0xFFFF8000  }
0x191: {  	[hbm4b:s28+s3] =	stream.linear.scatter [tilespmem:s5], [sflag:$0x4], $0x8000, $0x38;
	[tilespmem:$0x18200] =	vst v63  }
0x192: {  	_ =	swait.ge [sflag:s6], $0x8000  }
0x193: {  	[sflag:s6] =	ssyncset.done $0x0  }
0x194: {  	[sflag:s6] =	ssyncadd.s32 $0xFFFF8000  }
0x195: {  	[tilespmem:s11], [sflag:$0x3] =	stream.indirect.gather [hbm4b:s2+s10], $0x400, s16, s10, $0xb8;
	[tilespmem:$0x18200] =	vst v63  }
0x196: {  	_ =	swait.ge [sflag:s14], $0x8000  }
0x197: {  	[sflag:s14] =	ssyncset.done $0x0  }
0x198: {  	s29 =	rddreg [dreg:$0x11];
	[sflag:s14] =	ssyncadd.s32 $0xFFFF8000  }
0x199: {  	[hbm4b:s29+s3] =	stream.linear.scatter [tilespmem:s13], [sflag:$0x5], $0x8000, $0x38;
	[tilespmem:$0x18200] =	vst v63  }
0x19a: {  	_ =	swait.ge [sflag:s8], $0x8000  }
0x19b: {  	[sflag:s8] =	ssyncset.done $0x0  }
0x19c: {  	[sflag:s8] =	ssyncadd.s32 $0xFFFF8000  }
0x19d: {  	[tilespmem:s5], [sflag:$0x1] =	stream.indirect.gather [hbm4b:s2+s10], $0x400, s15, s10, $0xb8;
	[tilespmem:$0x18200] =	vst v63  }
0x19e: {  	_ =	swait.ge [sflag:s12], $0x8000  }
0x19f: {  	[sflag:s12] =	ssyncset.done $0x0  }
0x1a0: {  	s30 =	rddreg [dreg:$0x12];
	[sflag:s12] =	ssyncadd.s32 $0xFFFF8000  }
0x1a1: {  	[hbm4b:s30+s3] =	stream.linear.scatter [tilespmem:s11], [sflag:$0x6], $0x8000, $0x38;
	[tilespmem:$0x18200] =	vst v63  }
0x1a2: {  	_ =	swait.ge [sflag:s7], $0x8000  }
0x1a3: {  	[sflag:s7] =	ssyncset.done $0x0  }
0x1a4: {  	[sflag:s7] =	ssyncadd.s32 $0xFFFF8000  }
0x1a5: {  	[hbm4b:s4+s3] =	stream.linear.scatter [tilespmem:s5], [sflag:$0x4], $0x8000, $0x38;
	[tilespmem:$0x18200] =	vst v63  }
0x1a6: {  	_ =	swait.ge [sflag:s8], $0x8000  }
0x1a7: {  	[sflag:s8] =	ssyncset.done $0x0  }
0x1a8: {  	[sflag:s8] =	ssyncadd.s32 $0xFFFF8000  }
0x1a9: {  	_ =	swait.ge [sflag:s9], $0x8000  }
0x1aa: {  	[sflag:s9] =	ssyncset.done $0x0  }
0x1ab: {  	[sflag:s9] =	ssyncadd.s32 $0xFFFF8000  }
0x1ac: {  	_ =	swait.ge [sflag:s6], $0x8000  }
0x1ad: {  	[sflag:s6] =	ssyncset.done $0x0  }
0x1ae: {  	[sflag:s6] =	ssyncadd.s32 $0xFFFF8000  }
0x1af: {  	_ =	sfence.sel $0x180000  }
0x1b0: {  	[bflag:$0x0] =	sbarrier.arrive $0xFFFF  }
0x1b1: {  	_ =	strace $0x90000047  }
0x1b2: {  	s31 =	stileid.u32;
	[bflag:$0x2] =	sbarrier.arrive $0xFFFF  }
0x1b3: {  	p0 =	sne.s32 s31, $0x0;
	s0 =	rddreg [dreg:$0x3]  }
0x1b4: {  	s0 =	sadd.s32 @!p0 $0x100000, s0  }
0x1b5: {  	[sflag:s0] =	ssyncadd.tile.s32 @!p0 $0x1;
	_ =	shalt  }
.Lfunc_end2:
_tile_overlayer_lowered:
.L_overlay_start_2:
0x1b6: {  	(tag) =	ssettag $0x2  }
0x1b7: {  	s0 =	rddreg [dreg:$0x0];
	s2 =	stileid.u32  }
0x1b8: {  	s1 =	rddreg [dreg:$0x1];
	p0 =	sne.s32 s2, $0x0  }
0x1b9: {  	s3 =	rddreg [dreg:$0x2];
	[bflag:$0x3] =	sbarrier.arrive $0xFFFF;
	s2 =	simm.s32 @!p0 $0x1C07  }
0x1ba: {  	[timem:s3], [sflag:s2] =	dma.local @!p0 [hbm:s0], s1  }
0x1bb: {  	s0 =	simm.s32 @!p0 $0x7  }
0x1bc: {  	_ =	swait.ge @!p0 [sflag:s0], s1  }
0x1bd: {  	s1 =	ssub.s32 @!p0 $0x0, s1;
	[sflag:s0] =	ssyncset.done @!p0 $0x0  }
0x1be: {  	[sflag:s0] =	ssyncadd.s32 @!p0 s1  }
0x1bf: {  	[bflag:$0x3] =	sbarrier.arrive $0xFFFF  }
0x1c0: {  	_ =	shalt  }

</sc_bundles>
